<compile_context>
chip_gen: v7x
topology: tpu7x:2x2x1
jax: 0.10.2.dev20260603
libtpu: 0.0.44.dev20260713+nightly
codegen_flags: <defaults>
</compile_context>

<pallas_src>
import jax
import jax.numpy as jnp
from jax import lax
from jax.experimental import pallas as pl
from jax.experimental.pallas import tpu as pltpu
from jax.experimental.pallas import tpu_sc as plsc

N_NODES = 10000
N_EDGES = 320000
D = 128

NC = 2
NS = 16
NW = NC * NS

B = 128
EROWS = N_EDGES // B
ROWS_W = 80
PROWS = NW * ROWS_W
N_ACC = 16 * 640
ROWS_PER_TILE = N_ACC // NS
CNT_PAD = N_ACC

NB = 2
IB = 8
NSL = 3
NSLABS = ROWS_W // IB


def _sc_body(x_hbm, col_hbm, row_hbm, acc_out, cnt_out,
             acc_sh, cnt_sh, colb, rowb, rows_v, ones_v, zcnt_v,
             gsem, ssem, csem, isem, wsem):
    c = lax.axis_index("c")
    s = lax.axis_index("s")
    w = s * NC + c
    base = w * ROWS_W

    def _slab_refs(j):
        slot = lax.rem(j, NSL)
        st = pl.multiple_of(base + j * IB, 8)
        return ((col_hbm.at[pl.ds(st, IB), :], colb.at[slot]),
                (row_hbm.at[pl.ds(st, IB), :], rowb.at[slot]))

    def _slab_load(j):
        (csrc, cdst), (rsrc, rdst) = _slab_refs(j)
        slot = lax.rem(j, NSL)
        pltpu.async_copy(csrc, cdst, isem.at[slot])
        pltpu.async_copy(rsrc, rdst, isem.at[slot])

    def _slab_wait(j):
        (csrc, cdst), (rsrc, rdst) = _slab_refs(j)
        slot = lax.rem(j, NSL)
        pltpu.make_async_copy(csrc, cdst, isem.at[slot]).wait()
        pltpu.make_async_copy(rsrc, rdst, isem.at[slot]).wait()

    for j in range(NSL):
        _slab_load(j)

    def _zero_rows(i, carry):
        for j in range(D // 16):
            rows_v[0, i, pl.ds(j * 16, 16)] = jnp.zeros((16,), jnp.float32)
        return carry
    lax.fori_loop(0, B, _zero_rows, 0)
    for j in range(B // 16):
        ones_v[pl.ds(j * 16, 16)] = jnp.ones((16,), jnp.float32)
    def _zero_cnt(i, carry):
        zcnt_v[pl.ds(pl.multiple_of(i * 16, 16), 16)] = jnp.zeros((16,), jnp.float32)
        return carry
    lax.fori_loop(0, 640 // 16, _zero_cnt, 0)

    for q in range(ROWS_PER_TILE // B):
        pltpu.sync_copy(rows_v.at[0],
                        acc_sh.at[pl.ds(pl.multiple_of(s * ROWS_PER_TILE + q * B, 8), B), :])
    pltpu.sync_copy(zcnt_v, cnt_sh.at[pl.ds(pl.multiple_of(s * 640, 8), 640)])
    plsc.subcore_barrier()

    def _fire_gather(slot, m, b):
        pltpu.async_copy(x_hbm.at[rowb.at[slot, m]], rows_v.at[b], gsem.at[b])

    def _wait_gather(slot, m, b):
        pltpu.make_async_copy(x_hbm.at[rowb.at[slot, m]], rows_v.at[b],
                              gsem.at[b]).wait()

    _slab_wait(0)
    for b in range(NB):
        _fire_gather(0, b, b)

    def _slab_body(j, carry):
        jm = lax.rem(j, NSL)
        jp1 = lax.rem(j + 1, NSL)
        for m in range(0, IB, NB):
            for b in range(NB):
                _wait_gather(jm, m + b, b)
                pltpu.async_copy(rows_v.at[b], acc_sh.at[colb.at[jm, m + b]],
                                 ssem.at[b], add=True)
                pltpu.async_copy(ones_v, cnt_sh.at[colb.at[jm, m + b]],
                                 csem, add=True)
            if m == 2:
                @pl.when(j >= 1)
                def _():
                    for _i in range(IB):
                        pltpu.make_async_copy(ones_v, cnt_sh.at[colb.at[jm, 0]],
                                              csem).wait()
                @pl.when(j < NSLABS - 2)
                def _():
                    _slab_load(j + 2)
            if m == 6:
                @pl.when(j < NSLABS - 1)
                def _():
                    _slab_wait(j + 1)
            for b in range(NB):
                pltpu.make_async_copy(rows_v.at[b], acc_sh.at[colb.at[jm, m + b]],
                                      ssem.at[b]).wait()
                mn = m + b + NB
                if mn < IB:
                    if m == 6:
                        raise AssertionError
                    _fire_gather(jm, mn, b)
                else:
                    @pl.when(j < NSLABS - 1)
                    def _():
                        _fire_gather(jp1, mn - IB, b)
        return carry
    lax.fori_loop(0, NSLABS, _slab_body, 0)

    for _i in range(IB):
        pltpu.make_async_copy(ones_v, cnt_sh.at[colb.at[0, 0]], csem).wait()

    plsc.subcore_barrier()

    asrc = acc_sh.at[pl.ds(pl.multiple_of(s * ROWS_PER_TILE, 8), ROWS_PER_TILE), :]
    adst = acc_out.at[c, pl.ds(pl.multiple_of(s * ROWS_PER_TILE, 8), ROWS_PER_TILE), :]
    csrc2 = cnt_sh.at[pl.ds(pl.multiple_of(s * 640, 8), 640)]
    cdst2 = cnt_out.at[c, pl.ds(pl.multiple_of(s * 640, 8), 640)]
    pltpu.async_copy(asrc, adst, wsem)
    pltpu.async_copy(csrc2, cdst2, wsem)
    pltpu.make_async_copy(asrc, adst, wsem).wait()
    pltpu.make_async_copy(csrc2, cdst2, wsem).wait()


def _sc_partials(x, col2, row2):
    kfn = pl.kernel(
        _sc_body,
        out_type=[
            jax.ShapeDtypeStruct((NC, N_ACC, D), jnp.float32),
            jax.ShapeDtypeStruct((NC, CNT_PAD), jnp.float32),
        ],
        mesh=plsc.VectorSubcoreMesh(core_axis_name="c", subcore_axis_name="s"),
        scratch_types=[
            pltpu.VMEM_SHARED((N_ACC, D), jnp.float32),
            pltpu.VMEM_SHARED((CNT_PAD,), jnp.float32),
            pltpu.VMEM((NSL, IB, B), jnp.int32),
            pltpu.VMEM((NSL, IB, B), jnp.int32),
            pltpu.VMEM((NB, B, D), jnp.float32),
            pltpu.VMEM((B,), jnp.float32),
            pltpu.VMEM((640,), jnp.float32),
            pltpu.SemaphoreType.DMA((NB,)),
            pltpu.SemaphoreType.DMA((NB,)),
            pltpu.SemaphoreType.DMA,
            pltpu.SemaphoreType.DMA((NSL,)),
            pltpu.SemaphoreType.DMA,
        ],
    )
    return kfn(x, col2, row2)


def _combine_body(acc_ref, cnt_ref, x_ref, o_ref):
    ssum = acc_ref[0] + acc_ref[1]
    cnt = cnt_ref[0] + cnt_ref[1]
    denom = jnp.maximum(cnt, 1.0)
    o_ref[:, :D] = ssum / denom
    o_ref[:, D:] = jnp.where(cnt > 0.0, x_ref[...], 0.0)


def _combine(acc, cnt, x):
    R = 2000
    grid = (N_NODES // R,)
    return pl.pallas_call(
        _combine_body,
        grid=grid,
        in_specs=[
            pl.BlockSpec((NC, R, D), lambda i: (0, i, 0)),
            pl.BlockSpec((NC, R, 1), lambda i: (0, i, 0)),
            pl.BlockSpec((R, D), lambda i: (i, 0)),
        ],
        out_specs=pl.BlockSpec((R, 2 * D), lambda i: (i, 0)),
        out_shape=jax.ShapeDtypeStruct((N_NODES, 2 * D), jnp.float32),
    )(acc, cnt, x)


def kernel(x, es):
    es32 = es.astype(jnp.int32)
    npad = PROWS * B - N_EDGES
    pad_i = jnp.arange(npad, dtype=jnp.int32)
    col_pad = N_NODES + (pad_i % (N_ACC - N_NODES))
    row_pad = pad_i % N_NODES
    col2 = jnp.concatenate([es32[0], col_pad]).reshape(PROWS, B)
    row2 = jnp.concatenate([es32[1], row_pad]).reshape(PROWS, B)
    acc, cnt_pad = _sc_partials(x, col2, row2)
    cnt = cnt_pad[:, :N_NODES].reshape(NC, N_NODES, 1)
    return _combine(acc, cnt, x)

# --- scband reference (transcript-rebuilt; emitter-appended) ---
"""Pipeline reference for scband-gnn-9698036155133 (READ-ONLY COPY).

The authoritative reference and input builder live on the scoring server;
editing this copy changes nothing except your own understanding.
"""

import jax, jax.numpy as jnp
import numpy as np

N_NODES = 10000
N_EDGES = 320000
D_FEAT = 128

def setup_inputs(seed: int = 0) -> dict:
    key = jax.random.key(seed)
    k1, k2 = jax.random.split(key)
    x = jax.random.normal(k1, (N_NODES, D_FEAT), dtype=jnp.float32)
    es = jax.random.randint(k2, (2, N_EDGES), 0, N_NODES, dtype=jnp.int64)
    return {"x": x, "es": es}

def reference(x, es):
    # GNN.propagate with default option='o2i' and agg='mean'
    # message(): col, row = es ; x_i = x[row], x_o = x[col]
    col = es[0]
    row = es[1]
    x_i = jnp.take(x, row, axis=0)
    x_o = jnp.take(x, col, axis=0)
    msg = jnp.concatenate([x_i, x_o], axis=-1)  # [E, 2*d]
    # aggregate(): scatter mean over destination index col, size = N
    sums = jax.ops.segment_sum(msg, col, num_segments=N_NODES)
    counts = jax.ops.segment_sum(jnp.ones((msg.shape[0],), dtype=msg.dtype), col, num_segments=N_NODES)
    counts = jnp.clip(counts, 1.0, None)
    out = sums / counts[:, None]
    return out

if __name__ == "__main__":
    import jax
    _d = setup_inputs()
    print(jax.jit(kernel)(*tuple(_d.values())))

</pallas_src>

<mosaic_0001>
#map = affine_map<(d0, d1) -> (0, 0)>
#map1 = affine_map<(d0, d1) -> (0, 0, 0)>
module attributes {stable_mosaic.version = 14 : i64} {
  func.func @_sc_body(%arg0: i32, %arg1: i32, %arg2: memref<10000x128xf32, #tpu.memory_space<hbm>>, %arg3: memref<2560x128xi32, #tpu.memory_space<hbm>>, %arg4: memref<2560x128xi32, #tpu.memory_space<hbm>>, %arg5: memref<2x10240x128xf32, #tpu.memory_space<hbm>>, %arg6: memref<2x10240xf32, #tpu.memory_space<hbm>>, %arg7: memref<10240x128xf32, #tpu.memory_space<vmem_shared>>, %arg8: memref<10240xf32, #tpu.memory_space<vmem_shared>>, %arg9: memref<3x8x128xi32, #tpu.memory_space<vmem>>, %arg10: memref<3x8x128xi32, #tpu.memory_space<vmem>>, %arg11: memref<2x128x128xf32, #tpu.memory_space<vmem>>, %arg12: memref<128xf32, #tpu.memory_space<vmem>>, %arg13: memref<640xf32, #tpu.memory_space<vmem>>, %arg14: memref<2x!tpu.dma_semaphore, #tpu.memory_space<semaphore_mem>>, %arg15: memref<2x!tpu.dma_semaphore, #tpu.memory_space<semaphore_mem>>, %arg16: memref<!tpu.dma_semaphore, #tpu.memory_space<semaphore_mem>>, %arg17: memref<3x!tpu.dma_semaphore, #tpu.memory_space<semaphore_mem>>, %arg18: memref<!tpu.dma_semaphore, #tpu.memory_space<semaphore_mem>>) attributes {dimension_semantics = [#tpu.dimension_semantics<core_parallel>, #tpu.dimension_semantics<subcore_parallel>], iteration_bounds = array<i64: 2, 16>, scalar_prefetch = 0 : i64, scratch_operands = 12 : i64, tpu.core_type = #tpu.core_type<sc_vector_subcore>, window_params = [{transform_indices = #map}, {transform_indices = #map}, {transform_indices = #map}, {transform_indices = #map1}, {transform_indices = #map}]} {
    %mul3A = arith.constant 2 : i32
    %mul3A_0 = arith.muli %arg1, %mul3A : i32
    %add3A = arith.addi %mul3A_0, %arg0 : i32
    %mul3A_1 = arith.constant 80 : i32
    %mul3A_2 = arith.muli %add3A, %mul3A_1 : i32
    %rem3A = arith.constant 0 : i32
    %rem3A_3 = arith.constant 3 : i32
    %rem3A_4 = arith.remsi %rem3A, %rem3A_3 : i32
    %add3A_5 = arith.constant 0 : i32
    %add3A_6 = arith.addi %mul3A_2, %add3A_5 : i32
    %multiple_of3A = tpu.assume_multiple %add3A_6, 8 : i32
    %rem3A_7 = arith.constant 0 : i32
    %rem3A_8 = arith.constant 3 : i32
    %rem3A_9 = arith.remsi %rem3A_7, %rem3A_8 : i32
    %dma_start3A = arith.constant 0 : i32
    %dma_start3A_10 = arith.constant 0 : i32
    %dma_start3A_11 = tpu.memref_slice %arg9[%rem3A_4, %dma_start3A, %dma_start3A_10] : memref<3x8x128xi32, #tpu.memory_space<vmem>> -> memref<1x8x128xi32, #tpu.memory_space<vmem>>
    %dma_start3A_12 = tpu.memref_squeeze %dma_start3A_11 : memref<1x8x128xi32, #tpu.memory_space<vmem>> -> memref<8x128xi32, #tpu.memory_space<vmem>>
    %dma_start3A_13 = arith.constant 0 : i32
    %dma_start3A_14 = tpu.memref_slice %arg3[%multiple_of3A, %dma_start3A_13] : memref<2560x128xi32, #tpu.memory_space<hbm>> -> memref<8x128xi32, #tpu.memory_space<hbm>>
    %dma_start3A_15 = tpu.memref_slice %arg17[%rem3A_9] : memref<3x!tpu.dma_semaphore, #tpu.memory_space<semaphore_mem>> -> memref<1x!tpu.dma_semaphore, #tpu.memory_space<semaphore_mem>>
    %dma_start3A_16 = tpu.memref_squeeze %dma_start3A_15 : memref<1x!tpu.dma_semaphore, #tpu.memory_space<semaphore_mem>> -> memref<!tpu.dma_semaphore, #tpu.memory_space<semaphore_mem>>
    %dma_start3A_17 = arith.constant 0 : i32
    %dma_start3A_18 = arith.constant 0 : i32
    %dma_start3A_19 = tpu.memref_slice %arg9[%rem3A_4, %dma_start3A_17, %dma_start3A_18] : memref<3x8x128xi32, #tpu.memory_space<vmem>> -> memref<1x8x128xi32, #tpu.memory_space<vmem>>
    %dma_start3A_20 = tpu.memref_squeeze %dma_start3A_19 : memref<1x8x128xi32, #tpu.memory_space<vmem>> -> memref<8x128xi32, #tpu.memory_space<vmem>>
    %dma_start3A_21 = arith.constant 0 : i32
    %dma_start3A_22 = tpu.memref_slice %arg3[%multiple_of3A, %dma_start3A_21] : memref<2560x128xi32, #tpu.memory_space<hbm>> -> memref<8x128xi32, #tpu.memory_space<hbm>>
    tpu.enqueue_dma source(%dma_start3A_22 : memref<8x128xi32, #tpu.memory_space<hbm>>) target(%dma_start3A_20 : memref<8x128xi32, #tpu.memory_space<vmem>>) target_semaphore(%dma_start3A_16 : memref<!tpu.dma_semaphore, #tpu.memory_space<semaphore_mem>>)
    %dma_start3A_23 = arith.constant 0 : i32
    %dma_start3A_24 = arith.constant 0 : i32
    %dma_start3A_25 = tpu.memref_slice %arg10[%rem3A_4, %dma_start3A_23, %dma_start3A_24] : memref<3x8x128xi32, #tpu.memory_space<vmem>> -> memref<1x8x128xi32, #tpu.memory_space<vmem>>
    %dma_start3A_26 = tpu.memref_squeeze %dma_start3A_25 : memref<1x8x128xi32, #tpu.memory_space<vmem>> -> memref<8x128xi32, #tpu.memory_space<vmem>>
    %dma_start3A_27 = arith.constant 0 : i32
    %dma_start3A_28 = tpu.memref_slice %arg4[%multiple_of3A, %dma_start3A_27] : memref<2560x128xi32, #tpu.memory_space<hbm>> -> memref<8x128xi32, #tpu.memory_space<hbm>>
    %dma_start3A_29 = tpu.memref_slice %arg17[%rem3A_9] : memref<3x!tpu.dma_semaphore, #tpu.memory_space<semaphore_mem>> -> memref<1x!tpu.dma_semaphore, #tpu.memory_space<semaphore_mem>>
    %dma_start3A_30 = tpu.memref_squeeze %dma_start3A_29 : memref<1x!tpu.dma_semaphore, #tpu.memory_space<semaphore_mem>> -> memref<!tpu.dma_semaphore, #tpu.memory_space<semaphore_mem>>
    %dma_start3A_31 = arith.constant 0 : i32
    %dma_start3A_32 = arith.constant 0 : i32
    %dma_start3A_33 = tpu.memref_slice %arg10[%rem3A_4, %dma_start3A_31, %dma_start3A_32] : memref<3x8x128xi32, #tpu.memory_space<vmem>> -> memref<1x8x128xi32, #tpu.memory_space<vmem>>
    %dma_start3A_34 = tpu.memref_squeeze %dma_start3A_33 : memref<1x8x128xi32, #tpu.memory_space<vmem>> -> memref<8x128xi32, #tpu.memory_space<vmem>>
    %dma_start3A_35 = arith.constant 0 : i32
    %dma_start3A_36 = tpu.memref_slice %arg4[%multiple_of3A, %dma_start3A_35] : memref<2560x128xi32, #tpu.memory_space<hbm>> -> memref<8x128xi32, #tpu.memory_space<hbm>>
    tpu.enqueue_dma source(%dma_start3A_36 : memref<8x128xi32, #tpu.memory_space<hbm>>) target(%dma_start3A_34 : memref<8x128xi32, #tpu.memory_space<vmem>>) target_semaphore(%dma_start3A_30 : memref<!tpu.dma_semaphore, #tpu.memory_space<semaphore_mem>>)
    %rem3A_37 = arith.constant 1 : i32
    %rem3A_38 = arith.constant 3 : i32
    %rem3A_39 = arith.remsi %rem3A_37, %rem3A_38 : i32
    %add3A_40 = arith.constant 8 : i32
    %add3A_41 = arith.addi %mul3A_2, %add3A_40 : i32
    %multiple_of3A_42 = tpu.assume_multiple %add3A_41, 8 : i32
    %rem3A_43 = arith.constant 1 : i32
    %rem3A_44 = arith.constant 3 : i32
    %rem3A_45 = arith.remsi %rem3A_43, %rem3A_44 : i32
    %dma_start3A_46 = arith.constant 0 : i32
    %dma_start3A_47 = arith.constant 0 : i32
    %dma_start3A_48 = tpu.memref_slice %arg9[%rem3A_39, %dma_start3A_46, %dma_start3A_47] : memref<3x8x128xi32, #tpu.memory_space<vmem>> -> memref<1x8x128xi32, #tpu.memory_space<vmem>>
    %dma_start3A_49 = tpu.memref_squeeze %dma_start3A_48 : memref<1x8x128xi32, #tpu.memory_space<vmem>> -> memref<8x128xi32, #tpu.memory_space<vmem>>
    %dma_start3A_50 = arith.constant 0 : i32
    %dma_start3A_51 = tpu.memref_slice %arg3[%multiple_of3A_42, %dma_start3A_50] : memref<2560x128xi32, #tpu.memory_space<hbm>> -> memref<8x128xi32, #tpu.memory_space<hbm>>
    %dma_start3A_52 = tpu.memref_slice %arg17[%rem3A_45] : memref<3x!tpu.dma_semaphore, #tpu.memory_space<semaphore_mem>> -> memref<1x!tpu.dma_semaphore, #tpu.memory_space<semaphore_mem>>
    %dma_start3A_53 = tpu.memref_squeeze %dma_start3A_52 : memref<1x!tpu.dma_semaphore, #tpu.memory_space<semaphore_mem>> -> memref<!tpu.dma_semaphore, #tpu.memory_space<semaphore_mem>>
    %dma_start3A_54 = arith.constant 0 : i32
    %dma_start3A_55 = arith.constant 0 : i32
    %dma_start3A_56 = tpu.memref_slice %arg9[%rem3A_39, %dma_start3A_54, %dma_start3A_55] : memref<3x8x128xi32, #tpu.memory_space<vmem>> -> memref<1x8x128xi32, #tpu.memory_space<vmem>>
    %dma_start3A_57 = tpu.memref_squeeze %dma_start3A_56 : memref<1x8x128xi32, #tpu.memory_space<vmem>> -> memref<8x128xi32, #tpu.memory_space<vmem>>
    %dma_start3A_58 = arith.constant 0 : i32
    %dma_start3A_59 = tpu.memref_slice %arg3[%multiple_of3A_42, %dma_start3A_58] : memref<2560x128xi32, #tpu.memory_space<hbm>> -> memref<8x128xi32, #tpu.memory_space<hbm>>
    tpu.enqueue_dma source(%dma_start3A_59 : memref<8x128xi32, #tpu.memory_space<hbm>>) target(%dma_start3A_57 : memref<8x128xi32, #tpu.memory_space<vmem>>) target_semaphore(%dma_start3A_53 : memref<!tpu.dma_semaphore, #tpu.memory_space<semaphore_mem>>)
    %dma_start3A_60 = arith.constant 0 : i32
    %dma_start3A_61 = arith.constant 0 : i32
    %dma_start3A_62 = tpu.memref_slice %arg10[%rem3A_39, %dma_start3A_60, %dma_start3A_61] : memref<3x8x128xi32, #tpu.memory_space<vmem>> -> memref<1x8x128xi32, #tpu.memory_space<vmem>>
    %dma_start3A_63 = tpu.memref_squeeze %dma_start3A_62 : memref<1x8x128xi32, #tpu.memory_space<vmem>> -> memref<8x128xi32, #tpu.memory_space<vmem>>
    %dma_start3A_64 = arith.constant 0 : i32
    %dma_start3A_65 = tpu.memref_slice %arg4[%multiple_of3A_42, %dma_start3A_64] : memref<2560x128xi32, #tpu.memory_space<hbm>> -> memref<8x128xi32, #tpu.memory_space<hbm>>
    %dma_start3A_66 = tpu.memref_slice %arg17[%rem3A_45] : memref<3x!tpu.dma_semaphore, #tpu.memory_space<semaphore_mem>> -> memref<1x!tpu.dma_semaphore, #tpu.memory_space<semaphore_mem>>
    %dma_start3A_67 = tpu.memref_squeeze %dma_start3A_66 : memref<1x!tpu.dma_semaphore, #tpu.memory_space<semaphore_mem>> -> memref<!tpu.dma_semaphore, #tpu.memory_space<semaphore_mem>>
    %dma_start3A_68 = arith.constant 0 : i32
    %dma_start3A_69 = arith.constant 0 : i32
    %dma_start3A_70 = tpu.memref_slice %arg10[%rem3A_39, %dma_start3A_68, %dma_start3A_69] : memref<3x8x128xi32, #tpu.memory_space<vmem>> -> memref<1x8x128xi32, #tpu.memory_space<vmem>>
    %dma_start3A_71 = tpu.memref_squeeze %dma_start3A_70 : memref<1x8x128xi32, #tpu.memory_space<vmem>> -> memref<8x128xi32, #tpu.memory_space<vmem>>
    %dma_start3A_72 = arith.constant 0 : i32
    %dma_start3A_73 = tpu.memref_slice %arg4[%multiple_of3A_42, %dma_start3A_72] : memref<2560x128xi32, #tpu.memory_space<hbm>> -> memref<8x128xi32, #tpu.memory_space<hbm>>
    tpu.enqueue_dma source(%dma_start3A_73 : memref<8x128xi32, #tpu.memory_space<hbm>>) target(%dma_start3A_71 : memref<8x128xi32, #tpu.memory_space<vmem>>) target_semaphore(%dma_start3A_67 : memref<!tpu.dma_semaphore, #tpu.memory_space<semaphore_mem>>)
    %rem3A_74 = arith.constant 2 : i32
    %rem3A_75 = arith.constant 3 : i32
    %rem3A_76 = arith.remsi %rem3A_74, %rem3A_75 : i32
    %add3A_77 = arith.constant 16 : i32
    %add3A_78 = arith.addi %mul3A_2, %add3A_77 : i32
    %multiple_of3A_79 = tpu.assume_multiple %add3A_78, 8 : i32
    %rem3A_80 = arith.constant 2 : i32
    %rem3A_81 = arith.constant 3 : i32
    %rem3A_82 = arith.remsi %rem3A_80, %rem3A_81 : i32
    %dma_start3A_83 = arith.constant 0 : i32
    %dma_start3A_84 = arith.constant 0 : i32
    %dma_start3A_85 = tpu.memref_slice %arg9[%rem3A_76, %dma_start3A_83, %dma_start3A_84] : memref<3x8x128xi32, #tpu.memory_space<vmem>> -> memref<1x8x128xi32, #tpu.memory_space<vmem>>
    %dma_start3A_86 = tpu.memref_squeeze %dma_start3A_85 : memref<1x8x128xi32, #tpu.memory_space<vmem>> -> memref<8x128xi32, #tpu.memory_space<vmem>>
    %dma_start3A_87 = arith.constant 0 : i32
    %dma_start3A_88 = tpu.memref_slice %arg3[%multiple_of3A_79, %dma_start3A_87] : memref<2560x128xi32, #tpu.memory_space<hbm>> -> memref<8x128xi32, #tpu.memory_space<hbm>>
    %dma_start3A_89 = tpu.memref_slice %arg17[%rem3A_82] : memref<3x!tpu.dma_semaphore, #tpu.memory_space<semaphore_mem>> -> memref<1x!tpu.dma_semaphore, #tpu.memory_space<semaphore_mem>>
    %dma_start3A_90 = tpu.memref_squeeze %dma_start3A_89 : memref<1x!tpu.dma_semaphore, #tpu.memory_space<semaphore_mem>> -> memref<!tpu.dma_semaphore, #tpu.memory_space<semaphore_mem>>
    %dma_start3A_91 = arith.constant 0 : i32
    %dma_start3A_92 = arith.constant 0 : i32
    %dma_start3A_93 = tpu.memref_slice %arg9[%rem3A_76, %dma_start3A_91, %dma_start3A_92] : memref<3x8x128xi32, #tpu.memory_space<vmem>> -> memref<1x8x128xi32, #tpu.memory_space<vmem>>
    %dma_start3A_94 = tpu.memref_squeeze %dma_start3A_93 : memref<1x8x128xi32, #tpu.memory_space<vmem>> -> memref<8x128xi32, #tpu.memory_space<vmem>>
    %dma_start3A_95 = arith.constant 0 : i32
    %dma_start3A_96 = tpu.memref_slice %arg3[%multiple_of3A_79, %dma_start3A_95] : memref<2560x128xi32, #tpu.memory_space<hbm>> -> memref<8x128xi32, #tpu.memory_space<hbm>>
    tpu.enqueue_dma source(%dma_start3A_96 : memref<8x128xi32, #tpu.memory_space<hbm>>) target(%dma_start3A_94 : memref<8x128xi32, #tpu.memory_space<vmem>>) target_semaphore(%dma_start3A_90 : memref<!tpu.dma_semaphore, #tpu.memory_space<semaphore_mem>>)
    %dma_start3A_97 = arith.constant 0 : i32
    %dma_start3A_98 = arith.constant 0 : i32
    %dma_start3A_99 = tpu.memref_slice %arg10[%rem3A_76, %dma_start3A_97, %dma_start3A_98] : memref<3x8x128xi32, #tpu.memory_space<vmem>> -> memref<1x8x128xi32, #tpu.memory_space<vmem>>
    %dma_start3A_100 = tpu.memref_squeeze %dma_start3A_99 : memref<1x8x128xi32, #tpu.memory_space<vmem>> -> memref<8x128xi32, #tpu.memory_space<vmem>>
    %dma_start3A_101 = arith.constant 0 : i32
    %dma_start3A_102 = tpu.memref_slice %arg4[%multiple_of3A_79, %dma_start3A_101] : memref<2560x128xi32, #tpu.memory_space<hbm>> -> memref<8x128xi32, #tpu.memory_space<hbm>>
    %dma_start3A_103 = tpu.memref_slice %arg17[%rem3A_82] : memref<3x!tpu.dma_semaphore, #tpu.memory_space<semaphore_mem>> -> memref<1x!tpu.dma_semaphore, #tpu.memory_space<semaphore_mem>>
    %dma_start3A_104 = tpu.memref_squeeze %dma_start3A_103 : memref<1x!tpu.dma_semaphore, #tpu.memory_space<semaphore_mem>> -> memref<!tpu.dma_semaphore, #tpu.memory_space<semaphore_mem>>
    %dma_start3A_105 = arith.constant 0 : i32
    %dma_start3A_106 = arith.constant 0 : i32
    %dma_start3A_107 = tpu.memref_slice %arg10[%rem3A_76, %dma_start3A_105, %dma_start3A_106] : memref<3x8x128xi32, #tpu.memory_space<vmem>> -> memref<1x8x128xi32, #tpu.memory_space<vmem>>
    %dma_start3A_108 = tpu.memref_squeeze %dma_start3A_107 : memref<1x8x128xi32, #tpu.memory_space<vmem>> -> memref<8x128xi32, #tpu.memory_space<vmem>>
    %dma_start3A_109 = arith.constant 0 : i32
    %dma_start3A_110 = tpu.memref_slice %arg4[%multiple_of3A_79, %dma_start3A_109] : memref<2560x128xi32, #tpu.memory_space<hbm>> -> memref<8x128xi32, #tpu.memory_space<hbm>>
    tpu.enqueue_dma source(%dma_start3A_110 : memref<8x128xi32, #tpu.memory_space<hbm>>) target(%dma_start3A_108 : memref<8x128xi32, #tpu.memory_space<vmem>>) target_semaphore(%dma_start3A_104 : memref<!tpu.dma_semaphore, #tpu.memory_space<semaphore_mem>>)
    %scan3A = arith.constant 0 : i32
    %scan3A_111 = arith.constant 0 : i32
    %scan3A_112 = arith.constant 128 : i32
    %scan3A_113 = arith.addi %scan3A_111, %scan3A_112 : i32
    %scan3A_114 = arith.constant 1 : i32
    scf.for %scan3A_359 = %scan3A_111 to %scan3A_113 step %scan3A_114  : i32 {
      %broadcast_in_dim3A_360 = arith.constant 0.000000e+00 : f32
      %broadcast_in_dim3A_361 = vector.broadcast %broadcast_in_dim3A_360 : f32 to vector<16xf32>
      %swap3A_362 = arith.constant 0 : i32
      %swap3A_363 = arith.index_cast %swap3A_362 : i32 to index
      %swap3A_364 = arith.index_cast %scan3A_359 : i32 to index
      %swap3A_365 = arith.constant 0 : index
      %swap3A_366 = tpu.vector_load %arg11[%swap3A_363, %swap3A_364, %swap3A_365] {strides = array<i32>} : memref<2x128x128xf32, #tpu.memory_space<vmem>>, vector<1x1x16xf32>,
      %swap3A_367 = vector.shape_cast %swap3A_366 : vector<1x1x16xf32> to vector<16xf32>
      %swap3A_368 = vector.shape_cast %broadcast_in_dim3A_361 : vector<16xf32> to vector<1x1x16xf32>
      tpu.vector_store %arg11[%swap3A_363, %swap3A_364, %swap3A_365], %swap3A_368 {strides = array<i32>} : memref<2x128x128xf32, #tpu.memory_space<vmem>>, vector<1x1x16xf32>,
      %broadcast_in_dim3A_369 = arith.constant 0.000000e+00 : f32
      %broadcast_in_dim3A_370 = vector.broadcast %broadcast_in_dim3A_369 : f32 to vector<16xf32>
      %swap3A_371 = arith.constant 0 : i32
      %swap3A_372 = arith.index_cast %swap3A_371 : i32 to index
      %swap3A_373 = arith.index_cast %scan3A_359 : i32 to index
      %swap3A_374 = arith.constant 16 : index
      %swap3A_375 = tpu.vector_load %arg11[%swap3A_372, %swap3A_373, %swap3A_374] {strides = array<i32>} : memref<2x128x128xf32, #tpu.memory_space<vmem>>, vector<1x1x16xf32>,
      %swap3A_376 = vector.shape_cast %swap3A_375 : vector<1x1x16xf32> to vector<16xf32>
      %swap3A_377 = vector.shape_cast %broadcast_in_dim3A_370 : vector<16xf32> to vector<1x1x16xf32>
      tpu.vector_store %arg11[%swap3A_372, %swap3A_373, %swap3A_374], %swap3A_377 {strides = array<i32>} : memref<2x128x128xf32, #tpu.memory_space<vmem>>, vector<1x1x16xf32>,
      %broadcast_in_dim3A_378 = arith.constant 0.000000e+00 : f32
      %broadcast_in_dim3A_379 = vector.broadcast %broadcast_in_dim3A_378 : f32 to vector<16xf32>
      %swap3A_380 = arith.constant 0 : i32
      %swap3A_381 = arith.index_cast %swap3A_380 : i32 to index
      %swap3A_382 = arith.index_cast %scan3A_359 : i32 to index
      %swap3A_383 = arith.constant 32 : index
      %swap3A_384 = tpu.vector_load %arg11[%swap3A_381, %swap3A_382, %swap3A_383] {strides = array<i32>} : memref<2x128x128xf32, #tpu.memory_space<vmem>>, vector<1x1x16xf32>,
      %swap3A_385 = vector.shape_cast %swap3A_384 : vector<1x1x16xf32> to vector<16xf32>
      %swap3A_386 = vector.shape_cast %broadcast_in_dim3A_379 : vector<16xf32> to vector<1x1x16xf32>
      tpu.vector_store %arg11[%swap3A_381, %swap3A_382, %swap3A_383], %swap3A_386 {strides = array<i32>} : memref<2x128x128xf32, #tpu.memory_space<vmem>>, vector<1x1x16xf32>,
      %broadcast_in_dim3A_387 = arith.constant 0.000000e+00 : f32
      %broadcast_in_dim3A_388 = vector.broadcast %broadcast_in_dim3A_387 : f32 to vector<16xf32>
      %swap3A_389 = arith.constant 0 : i32
      %swap3A_390 = arith.index_cast %swap3A_389 : i32 to index
      %swap3A_391 = arith.index_cast %scan3A_359 : i32 to index
      %swap3A_392 = arith.constant 48 : index
      %swap3A_393 = tpu.vector_load %arg11[%swap3A_390, %swap3A_391, %swap3A_392] {strides = array<i32>} : memref<2x128x128xf32, #tpu.memory_space<vmem>>, vector<1x1x16xf32>,
      %swap3A_394 = vector.shape_cast %swap3A_393 : vector<1x1x16xf32> to vector<16xf32>
      %swap3A_395 = vector.shape_cast %broadcast_in_dim3A_388 : vector<16xf32> to vector<1x1x16xf32>
      tpu.vector_store %arg11[%swap3A_390, %swap3A_391, %swap3A_392], %swap3A_395 {strides = array<i32>} : memref<2x128x128xf32, #tpu.memory_space<vmem>>, vector<1x1x16xf32>,
      %broadcast_in_dim3A_396 = arith.constant 0.000000e+00 : f32
      %broadcast_in_dim3A_397 = vector.broadcast %broadcast_in_dim3A_396 : f32 to vector<16xf32>
      %swap3A_398 = arith.constant 0 : i32
      %swap3A_399 = arith.index_cast %swap3A_398 : i32 to index
      %swap3A_400 = arith.index_cast %scan3A_359 : i32 to index
      %swap3A_401 = arith.constant 64 : index
      %swap3A_402 = tpu.vector_load %arg11[%swap3A_399, %swap3A_400, %swap3A_401] {strides = array<i32>} : memref<2x128x128xf32, #tpu.memory_space<vmem>>, vector<1x1x16xf32>,
      %swap3A_403 = vector.shape_cast %swap3A_402 : vector<1x1x16xf32> to vector<16xf32>
      %swap3A_404 = vector.shape_cast %broadcast_in_dim3A_397 : vector<16xf32> to vector<1x1x16xf32>
      tpu.vector_store %arg11[%swap3A_399, %swap3A_400, %swap3A_401], %swap3A_404 {strides = array<i32>} : memref<2x128x128xf32, #tpu.memory_space<vmem>>, vector<1x1x16xf32>,
      %broadcast_in_dim3A_405 = arith.constant 0.000000e+00 : f32
      %broadcast_in_dim3A_406 = vector.broadcast %broadcast_in_dim3A_405 : f32 to vector<16xf32>
      %swap3A_407 = arith.constant 0 : i32
      %swap3A_408 = arith.index_cast %swap3A_407 : i32 to index
      %swap3A_409 = arith.index_cast %scan3A_359 : i32 to index
      %swap3A_410 = arith.constant 80 : index
      %swap3A_411 = tpu.vector_load %arg11[%swap3A_408, %swap3A_409, %swap3A_410] {strides = array<i32>} : memref<2x128x128xf32, #tpu.memory_space<vmem>>, vector<1x1x16xf32>,
      %swap3A_412 = vector.shape_cast %swap3A_411 : vector<1x1x16xf32> to vector<16xf32>
      %swap3A_413 = vector.shape_cast %broadcast_in_dim3A_406 : vector<16xf32> to vector<1x1x16xf32>
      tpu.vector_store %arg11[%swap3A_408, %swap3A_409, %swap3A_410], %swap3A_413 {strides = array<i32>} : memref<2x128x128xf32, #tpu.memory_space<vmem>>, vector<1x1x16xf32>,
      %broadcast_in_dim3A_414 = arith.constant 0.000000e+00 : f32
      %broadcast_in_dim3A_415 = vector.broadcast %broadcast_in_dim3A_414 : f32 to vector<16xf32>
      %swap3A_416 = arith.constant 0 : i32
      %swap3A_417 = arith.index_cast %swap3A_416 : i32 to index
      %swap3A_418 = arith.index_cast %scan3A_359 : i32 to index
      %swap3A_419 = arith.constant 96 : index
      %swap3A_420 = tpu.vector_load %arg11[%swap3A_417, %swap3A_418, %swap3A_419] {strides = array<i32>} : memref<2x128x128xf32, #tpu.memory_space<vmem>>, vector<1x1x16xf32>,
      %swap3A_421 = vector.shape_cast %swap3A_420 : vector<1x1x16xf32> to vector<16xf32>
      %swap3A_422 = vector.shape_cast %broadcast_in_dim3A_415 : vector<16xf32> to vector<1x1x16xf32>
      tpu.vector_store %arg11[%swap3A_417, %swap3A_418, %swap3A_419], %swap3A_422 {strides = array<i32>} : memref<2x128x128xf32, #tpu.memory_space<vmem>>, vector<1x1x16xf32>,
      %broadcast_in_dim3A_423 = arith.constant 0.000000e+00 : f32
      %broadcast_in_dim3A_424 = vector.broadcast %broadcast_in_dim3A_423 : f32 to vector<16xf32>
      %swap3A_425 = arith.constant 0 : i32
      %swap3A_426 = arith.index_cast %swap3A_425 : i32 to index
      %swap3A_427 = arith.index_cast %scan3A_359 : i32 to index
      %swap3A_428 = arith.constant 112 : index
      %swap3A_429 = tpu.vector_load %arg11[%swap3A_426, %swap3A_427, %swap3A_428] {strides = array<i32>} : memref<2x128x128xf32, #tpu.memory_space<vmem>>, vector<1x1x16xf32>,
      %swap3A_430 = vector.shape_cast %swap3A_429 : vector<1x1x16xf32> to vector<16xf32>
      %swap3A_431 = vector.shape_cast %broadcast_in_dim3A_424 : vector<16xf32> to vector<1x1x16xf32>
      tpu.vector_store %arg11[%swap3A_426, %swap3A_427, %swap3A_428], %swap3A_431 {strides = array<i32>} : memref<2x128x128xf32, #tpu.memory_space<vmem>>, vector<1x1x16xf32>,
    }
    %scan3A_115 = arith.constant 128 : i32
    %broadcast_in_dim3A = arith.constant 1.000000e+00 : f32
    %broadcast_in_dim3A_116 = vector.broadcast %broadcast_in_dim3A : f32 to vector<16xf32>
    %swap3A = arith.constant 0 : index
    %swap3A_117 = tpu.vector_load %arg12[%swap3A] {strides = array<i32>} : memref<128xf32, #tpu.memory_space<vmem>>, vector<16xf32>,
    %swap3A_118 = vector.shape_cast %swap3A_117 : vector<16xf32> to vector<16xf32>
    %swap3A_119 = vector.shape_cast %broadcast_in_dim3A_116 : vector<16xf32> to vector<16xf32>
    tpu.vector_store %arg12[%swap3A], %swap3A_119 {strides = array<i32>} : memref<128xf32, #tpu.memory_space<vmem>>, vector<16xf32>,
    %broadcast_in_dim3A_120 = arith.constant 1.000000e+00 : f32
    %broadcast_in_dim3A_121 = vector.broadcast %broadcast_in_dim3A_120 : f32 to vector<16xf32>
    %swap3A_122 = arith.constant 16 : index
    %swap3A_123 = tpu.vector_load %arg12[%swap3A_122] {strides = array<i32>} : memref<128xf32, #tpu.memory_space<vmem>>, vector<16xf32>,
    %swap3A_124 = vector.shape_cast %swap3A_123 : vector<16xf32> to vector<16xf32>
    %swap3A_125 = vector.shape_cast %broadcast_in_dim3A_121 : vector<16xf32> to vector<16xf32>
    tpu.vector_store %arg12[%swap3A_122], %swap3A_125 {strides = array<i32>} : memref<128xf32, #tpu.memory_space<vmem>>, vector<16xf32>,
    %broadcast_in_dim3A_126 = arith.constant 1.000000e+00 : f32
    %broadcast_in_dim3A_127 = vector.broadcast %broadcast_in_dim3A_126 : f32 to vector<16xf32>
    %swap3A_128 = arith.constant 32 : index
    %swap3A_129 = tpu.vector_load %arg12[%swap3A_128] {strides = array<i32>} : memref<128xf32, #tpu.memory_space<vmem>>, vector<16xf32>,
    %swap3A_130 = vector.shape_cast %swap3A_129 : vector<16xf32> to vector<16xf32>
    %swap3A_131 = vector.shape_cast %broadcast_in_dim3A_127 : vector<16xf32> to vector<16xf32>
    tpu.vector_store %arg12[%swap3A_128], %swap3A_131 {strides = array<i32>} : memref<128xf32, #tpu.memory_space<vmem>>, vector<16xf32>,
    %broadcast_in_dim3A_132 = arith.constant 1.000000e+00 : f32
    %broadcast_in_dim3A_133 = vector.broadcast %broadcast_in_dim3A_132 : f32 to vector<16xf32>
    %swap3A_134 = arith.constant 48 : index
    %swap3A_135 = tpu.vector_load %arg12[%swap3A_134] {strides = array<i32>} : memref<128xf32, #tpu.memory_space<vmem>>, vector<16xf32>,
    %swap3A_136 = vector.shape_cast %swap3A_135 : vector<16xf32> to vector<16xf32>
    %swap3A_137 = vector.shape_cast %broadcast_in_dim3A_133 : vector<16xf32> to vector<16xf32>
    tpu.vector_store %arg12[%swap3A_134], %swap3A_137 {strides = array<i32>} : memref<128xf32, #tpu.memory_space<vmem>>, vector<16xf32>,
    %broadcast_in_dim3A_138 = arith.constant 1.000000e+00 : f32
    %broadcast_in_dim3A_139 = vector.broadcast %broadcast_in_dim3A_138 : f32 to vector<16xf32>
    %swap3A_140 = arith.constant 64 : index
    %swap3A_141 = tpu.vector_load %arg12[%swap3A_140] {strides = array<i32>} : memref<128xf32, #tpu.memory_space<vmem>>, vector<16xf32>,
    %swap3A_142 = vector.shape_cast %swap3A_141 : vector<16xf32> to vector<16xf32>
    %swap3A_143 = vector.shape_cast %broadcast_in_dim3A_139 : vector<16xf32> to vector<16xf32>
    tpu.vector_store %arg12[%swap3A_140], %swap3A_143 {strides = array<i32>} : memref<128xf32, #tpu.memory_space<vmem>>, vector<16xf32>,
    %broadcast_in_dim3A_144 = arith.constant 1.000000e+00 : f32
    %broadcast_in_dim3A_145 = vector.broadcast %broadcast_in_dim3A_144 : f32 to vector<16xf32>
    %swap3A_146 = arith.constant 80 : index
    %swap3A_147 = tpu.vector_load %arg12[%swap3A_146] {strides = array<i32>} : memref<128xf32, #tpu.memory_space<vmem>>, vector<16xf32>,
    %swap3A_148 = vector.shape_cast %swap3A_147 : vector<16xf32> to vector<16xf32>
    %swap3A_149 = vector.shape_cast %broadcast_in_dim3A_145 : vector<16xf32> to vector<16xf32>
    tpu.vector_store %arg12[%swap3A_146], %swap3A_149 {strides = array<i32>} : memref<128xf32, #tpu.memory_space<vmem>>, vector<16xf32>,
    %broadcast_in_dim3A_150 = arith.constant 1.000000e+00 : f32
    %broadcast_in_dim3A_151 = vector.broadcast %broadcast_in_dim3A_150 : f32 to vector<16xf32>
    %swap3A_152 = arith.constant 96 : index
    %swap3A_153 = tpu.vector_load %arg12[%swap3A_152] {strides = array<i32>} : memref<128xf32, #tpu.memory_space<vmem>>, vector<16xf32>,
    %swap3A_154 = vector.shape_cast %swap3A_153 : vector<16xf32> to vector<16xf32>
    %swap3A_155 = vector.shape_cast %broadcast_in_dim3A_151 : vector<16xf32> to vector<16xf32>
    tpu.vector_store %arg12[%swap3A_152], %swap3A_155 {strides = array<i32>} : memref<128xf32, #tpu.memory_space<vmem>>, vector<16xf32>,
    %broadcast_in_dim3A_156 = arith.constant 1.000000e+00 : f32
    %broadcast_in_dim3A_157 = vector.broadcast %broadcast_in_dim3A_156 : f32 to vector<16xf32>
    %swap3A_158 = arith.constant 112 : index
    %swap3A_159 = tpu.vector_load %arg12[%swap3A_158] {strides = array<i32>} : memref<128xf32, #tpu.memory_space<vmem>>, vector<16xf32>,
    %swap3A_160 = vector.shape_cast %swap3A_159 : vector<16xf32> to vector<16xf32>
    %swap3A_161 = vector.shape_cast %broadcast_in_dim3A_157 : vector<16xf32> to vector<16xf32>
    tpu.vector_store %arg12[%swap3A_158], %swap3A_161 {strides = array<i32>} : memref<128xf32, #tpu.memory_space<vmem>>, vector<16xf32>,
    %scan3A_162 = arith.constant 0 : i32
    %scan3A_163 = arith.constant 0 : i32
    %scan3A_164 = arith.constant 40 : i32
    %scan3A_165 = arith.addi %scan3A_163, %scan3A_164 : i32
    %scan3A_166 = arith.constant 1 : i32
    scf.for %scan3A_359 = %scan3A_163 to %scan3A_165 step %scan3A_166  : i32 {
      %broadcast_in_dim3A_360 = arith.constant 0.000000e+00 : f32
      %broadcast_in_dim3A_361 = vector.broadcast %broadcast_in_dim3A_360 : f32 to vector<16xf32>
      %mul3A_362 = arith.constant 16 : i32
      %mul3A_363 = arith.muli %scan3A_359, %mul3A_362 : i32
      %multiple_of3A_364 = tpu.assume_multiple %mul3A_363, 16 : i32
      %swap3A_365 = arith.index_cast %multiple_of3A_364 : i32 to index
      %swap3A_366 = tpu.vector_load %arg13[%swap3A_365] {strides = array<i32>} : memref<640xf32, #tpu.memory_space<vmem>>, vector<16xf32>,
      %swap3A_367 = vector.shape_cast %swap3A_366 : vector<16xf32> to vector<16xf32>
      %swap3A_368 = vector.shape_cast %broadcast_in_dim3A_361 : vector<16xf32> to vector<16xf32>
      tpu.vector_store %arg13[%swap3A_365], %swap3A_368 {strides = array<i32>} : memref<640xf32, #tpu.memory_space<vmem>>, vector<16xf32>,
    }
    %scan3A_167 = arith.constant 40 : i32
    %mul3A_168 = arith.constant 640 : i32
    %mul3A_169 = arith.muli %arg1, %mul3A_168 : i32
    %add3A_170 = arith.constant 0 : i32
    %add3A_171 = arith.addi %mul3A_169, %add3A_170 : i32
    %multiple_of3A_172 = tpu.assume_multiple %add3A_171, 8 : i32
    %run_scoped3A = arith.constant 0 : i32
    "tpu.region"() ({
      %run_scoped3A_359 = tpu.sem_alloc : memref<!tpu.dma_semaphore, #tpu.memory_space<semaphore_mem>>
      %dma_start3A_360 = arith.constant 0 : i32
      %dma_start3A_361 = arith.constant 0 : i32
      %dma_start3A_362 = tpu.memref_slice %arg11[%run_scoped3A, %dma_start3A_360, %dma_start3A_361] : memref<2x128x128xf32, #tpu.memory_space<vmem>> -> memref<1x128x128xf32, #tpu.memory_space<vmem>>
      %dma_start3A_363 = tpu.memref_squeeze %dma_start3A_362 : memref<1x128x128xf32, #tpu.memory_space<vmem>> -> memref<128x128xf32, #tpu.memory_space<vmem>>
      %dma_start3A_364 = arith.constant 0 : i32
      %dma_start3A_365 = tpu.memref_slice %arg7[%multiple_of3A_172, %dma_start3A_364] : memref<10240x128xf32, #tpu.memory_space<vmem_shared>> -> memref<128x128xf32, #tpu.memory_space<vmem_shared>>
      %dma_start3A_366 = arith.constant 0 : i32
      %dma_start3A_367 = tpu.memref_slice %arg7[%multiple_of3A_172, %dma_start3A_366] : memref<10240x128xf32, #tpu.memory_space<vmem_shared>> -> memref<128x128xf32, #tpu.memory_space<vmem_shared>>
      %dma_start3A_368 = arith.constant 0 : i32
      %dma_start3A_369 = arith.constant 0 : i32
      %dma_start3A_370 = tpu.memref_slice %arg11[%run_scoped3A, %dma_start3A_368, %dma_start3A_369] : memref<2x128x128xf32, #tpu.memory_space<vmem>> -> memref<1x128x128xf32, #tpu.memory_space<vmem>>
      %dma_start3A_371 = tpu.memref_squeeze %dma_start3A_370 : memref<1x128x128xf32, #tpu.memory_space<vmem>> -> memref<128x128xf32, #tpu.memory_space<vmem>>
      tpu.enqueue_dma source(%dma_start3A_371 : memref<128x128xf32, #tpu.memory_space<vmem>>) target(%dma_start3A_367 : memref<128x128xf32, #tpu.memory_space<vmem_shared>>) target_semaphore(%run_scoped3A_359 : memref<!tpu.dma_semaphore, #tpu.memory_space<semaphore_mem>>)
      %dma_wait3A_372 = arith.constant 0 : i32
      %dma_wait3A_373 = arith.constant 0 : i32
      %dma_wait3A_374 = tpu.memref_slice %arg11[%run_scoped3A, %dma_wait3A_372, %dma_wait3A_373] : memref<2x128x128xf32, #tpu.memory_space<vmem>> -> memref<1x128x128xf32, #tpu.memory_space<vmem>>
      %dma_wait3A_375 = tpu.memref_squeeze %dma_wait3A_374 : memref<1x128x128xf32, #tpu.memory_space<vmem>> -> memref<128x128xf32, #tpu.memory_space<vmem>>
      %dma_wait3A_376 = arith.constant 0 : i32
      %dma_wait3A_377 = tpu.memref_slice %arg7[%multiple_of3A_172, %dma_wait3A_376] : memref<10240x128xf32, #tpu.memory_space<vmem_shared>> -> memref<128x128xf32, #tpu.memory_space<vmem_shared>>
      %dma_wait3A_378 = arith.constant 0 : i32
      %dma_wait3A_379 = tpu.memref_slice %arg7[%multiple_of3A_172, %dma_wait3A_378] : memref<10240x128xf32, #tpu.memory_space<vmem_shared>> -> memref<128x128xf32, #tpu.memory_space<vmem_shared>>
      %dma_wait3A_380 = arith.constant 0 : i32
      %dma_wait3A_381 = arith.constant 0 : i32
      %dma_wait3A_382 = tpu.memref_slice %arg11[%run_scoped3A, %dma_wait3A_380, %dma_wait3A_381] : memref<2x128x128xf32, #tpu.memory_space<vmem>> -> memref<1x128x128xf32, #tpu.memory_space<vmem>>
      %dma_wait3A_383 = tpu.memref_squeeze %dma_wait3A_382 : memref<1x128x128xf32, #tpu.memory_space<vmem>> -> memref<128x128xf32, #tpu.memory_space<vmem>>
      tpu.wait_dma2 semaphore(%run_scoped3A_359 : memref<!tpu.dma_semaphore, #tpu.memory_space<semaphore_mem>>) src(%dma_wait3A_383 : memref<128x128xf32, #tpu.memory_space<vmem>>) dst(%dma_wait3A_379 : memref<128x128xf32, #tpu.memory_space<vmem_shared>>)
      tpu.yield
    }) : () -> ()
    %mul3A_173 = arith.constant 640 : i32
    %mul3A_174 = arith.muli %arg1, %mul3A_173 : i32
    %add3A_175 = arith.constant 128 : i32
    %add3A_176 = arith.addi %mul3A_174, %add3A_175 : i32
    %multiple_of3A_177 = tpu.assume_multiple %add3A_176, 8 : i32
    %run_scoped3A_178 = arith.constant 0 : i32
    "tpu.region"() ({
      %run_scoped3A_359 = tpu.sem_alloc : memref<!tpu.dma_semaphore, #tpu.memory_space<semaphore_mem>>
      %dma_start3A_360 = arith.constant 0 : i32
      %dma_start3A_361 = arith.constant 0 : i32
      %dma_start3A_362 = tpu.memref_slice %arg11[%run_scoped3A_178, %dma_start3A_360, %dma_start3A_361] : memref<2x128x128xf32, #tpu.memory_space<vmem>> -> memref<1x128x128xf32, #tpu.memory_space<vmem>>
      %dma_start3A_363 = tpu.memref_squeeze %dma_start3A_362 : memref<1x128x128xf32, #tpu.memory_space<vmem>> -> memref<128x128xf32, #tpu.memory_space<vmem>>
      %dma_start3A_364 = arith.constant 0 : i32
      %dma_start3A_365 = tpu.memref_slice %arg7[%multiple_of3A_177, %dma_start3A_364] : memref<10240x128xf32, #tpu.memory_space<vmem_shared>> -> memref<128x128xf32, #tpu.memory_space<vmem_shared>>
      %dma_start3A_366 = arith.constant 0 : i32
      %dma_start3A_367 = tpu.memref_slice %arg7[%multiple_of3A_177, %dma_start3A_366] : memref<10240x128xf32, #tpu.memory_space<vmem_shared>> -> memref<128x128xf32, #tpu.memory_space<vmem_shared>>
      %dma_start3A_368 = arith.constant 0 : i32
      %dma_start3A_369 = arith.constant 0 : i32
      %dma_start3A_370 = tpu.memref_slice %arg11[%run_scoped3A_178, %dma_start3A_368, %dma_start3A_369] : memref<2x128x128xf32, #tpu.memory_space<vmem>> -> memref<1x128x128xf32, #tpu.memory_space<vmem>>
      %dma_start3A_371 = tpu.memref_squeeze %dma_start3A_370 : memref<1x128x128xf32, #tpu.memory_space<vmem>> -> memref<128x128xf32, #tpu.memory_space<vmem>>
      tpu.enqueue_dma source(%dma_start3A_371 : memref<128x128xf32, #tpu.memory_space<vmem>>) target(%dma_start3A_367 : memref<128x128xf32, #tpu.memory_space<vmem_shared>>) target_semaphore(%run_scoped3A_359 : memref<!tpu.dma_semaphore, #tpu.memory_space<semaphore_mem>>)
      %dma_wait3A_372 = arith.constant 0 : i32
      %dma_wait3A_373 = arith.constant 0 : i32
      %dma_wait3A_374 = tpu.memref_slice %arg11[%run_scoped3A_178, %dma_wait3A_372, %dma_wait3A_373] : memref<2x128x128xf32, #tpu.memory_space<vmem>> -> memref<1x128x128xf32, #tpu.memory_space<vmem>>
      %dma_wait3A_375 = tpu.memref_squeeze %dma_wait3A_374 : memref<1x128x128xf32, #tpu.memory_space<vmem>> -> memref<128x128xf32, #tpu.memory_space<vmem>>
      %dma_wait3A_376 = arith.constant 0 : i32
      %dma_wait3A_377 = tpu.memref_slice %arg7[%multiple_of3A_177, %dma_wait3A_376] : memref<10240x128xf32, #tpu.memory_space<vmem_shared>> -> memref<128x128xf32, #tpu.memory_space<vmem_shared>>
      %dma_wait3A_378 = arith.constant 0 : i32
      %dma_wait3A_379 = tpu.memref_slice %arg7[%multiple_of3A_177, %dma_wait3A_378] : memref<10240x128xf32, #tpu.memory_space<vmem_shared>> -> memref<128x128xf32, #tpu.memory_space<vmem_shared>>
      %dma_wait3A_380 = arith.constant 0 : i32
      %dma_wait3A_381 = arith.constant 0 : i32
      %dma_wait3A_382 = tpu.memref_slice %arg11[%run_scoped3A_178, %dma_wait3A_380, %dma_wait3A_381] : memref<2x128x128xf32, #tpu.memory_space<vmem>> -> memref<1x128x128xf32, #tpu.memory_space<vmem>>
      %dma_wait3A_383 = tpu.memref_squeeze %dma_wait3A_382 : memref<1x128x128xf32, #tpu.memory_space<vmem>> -> memref<128x128xf32, #tpu.memory_space<vmem>>
      tpu.wait_dma2 semaphore(%run_scoped3A_359 : memref<!tpu.dma_semaphore, #tpu.memory_space<semaphore_mem>>) src(%dma_wait3A_383 : memref<128x128xf32, #tpu.memory_space<vmem>>) dst(%dma_wait3A_379 : memref<128x128xf32, #tpu.memory_space<vmem_shared>>)
      tpu.yield
    }) : () -> ()
    %mul3A_179 = arith.constant 640 : i32
    %mul3A_180 = arith.muli %arg1, %mul3A_179 : i32
    %add3A_181 = arith.constant 256 : i32
    %add3A_182 = arith.addi %mul3A_180, %add3A_181 : i32
    %multiple_of3A_183 = tpu.assume_multiple %add3A_182, 8 : i32
    %run_scoped3A_184 = arith.constant 0 : i32
    "tpu.region"() ({
      %run_scoped3A_359 = tpu.sem_alloc : memref<!tpu.dma_semaphore, #tpu.memory_space<semaphore_mem>>
      %dma_start3A_360 = arith.constant 0 : i32
      %dma_start3A_361 = arith.constant 0 : i32
      %dma_start3A_362 = tpu.memref_slice %arg11[%run_scoped3A_184, %dma_start3A_360, %dma_start3A_361] : memref<2x128x128xf32, #tpu.memory_space<vmem>> -> memref<1x128x128xf32, #tpu.memory_space<vmem>>
      %dma_start3A_363 = tpu.memref_squeeze %dma_start3A_362 : memref<1x128x128xf32, #tpu.memory_space<vmem>> -> memref<128x128xf32, #tpu.memory_space<vmem>>
      %dma_start3A_364 = arith.constant 0 : i32
      %dma_start3A_365 = tpu.memref_slice %arg7[%multiple_of3A_183, %dma_start3A_364] : memref<10240x128xf32, #tpu.memory_space<vmem_shared>> -> memref<128x128xf32, #tpu.memory_space<vmem_shared>>
      %dma_start3A_366 = arith.constant 0 : i32
      %dma_start3A_367 = tpu.memref_slice %arg7[%multiple_of3A_183, %dma_start3A_366] : memref<10240x128xf32, #tpu.memory_space<vmem_shared>> -> memref<128x128xf32, #tpu.memory_space<vmem_shared>>
      %dma_start3A_368 = arith.constant 0 : i32
      %dma_start3A_369 = arith.constant 0 : i32
      %dma_start3A_370 = tpu.memref_slice %arg11[%run_scoped3A_184, %dma_start3A_368, %dma_start3A_369] : memref<2x128x128xf32, #tpu.memory_space<vmem>> -> memref<1x128x128xf32, #tpu.memory_space<vmem>>
      %dma_start3A_371 = tpu.memref_squeeze %dma_start3A_370 : memref<1x128x128xf32, #tpu.memory_space<vmem>> -> memref<128x128xf32, #tpu.memory_space<vmem>>
      tpu.enqueue_dma source(%dma_start3A_371 : memref<128x128xf32, #tpu.memory_space<vmem>>) target(%dma_start3A_367 : memref<128x128xf32, #tpu.memory_space<vmem_shared>>) target_semaphore(%run_scoped3A_359 : memref<!tpu.dma_semaphore, #tpu.memory_space<semaphore_mem>>)
      %dma_wait3A_372 = arith.constant 0 : i32
      %dma_wait3A_373 = arith.constant 0 : i32
      %dma_wait3A_374 = tpu.memref_slice %arg11[%run_scoped3A_184, %dma_wait3A_372, %dma_wait3A_373] : memref<2x128x128xf32, #tpu.memory_space<vmem>> -> memref<1x128x128xf32, #tpu.memory_space<vmem>>
      %dma_wait3A_375 = tpu.memref_squeeze %dma_wait3A_374 : memref<1x128x128xf32, #tpu.memory_space<vmem>> -> memref<128x128xf32, #tpu.memory_space<vmem>>
      %dma_wait3A_376 = arith.constant 0 : i32
      %dma_wait3A_377 = tpu.memref_slice %arg7[%multiple_of3A_183, %dma_wait3A_376] : memref<10240x128xf32, #tpu.memory_space<vmem_shared>> -> memref<128x128xf32, #tpu.memory_space<vmem_shared>>
      %dma_wait3A_378 = arith.constant 0 : i32
      %dma_wait3A_379 = tpu.memref_slice %arg7[%multiple_of3A_183, %dma_wait3A_378] : memref<10240x128xf32, #tpu.memory_space<vmem_shared>> -> memref<128x128xf32, #tpu.memory_space<vmem_shared>>
      %dma_wait3A_380 = arith.constant 0 : i32
      %dma_wait3A_381 = arith.constant 0 : i32
      %dma_wait3A_382 = tpu.memref_slice %arg11[%run_scoped3A_184, %dma_wait3A_380, %dma_wait3A_381] : memref<2x128x128xf32, #tpu.memory_space<vmem>> -> memref<1x128x128xf32, #tpu.memory_space<vmem>>
      %dma_wait3A_383 = tpu.memref_squeeze %dma_wait3A_382 : memref<1x128x128xf32, #tpu.memory_space<vmem>> -> memref<128x128xf32, #tpu.memory_space<vmem>>
      tpu.wait_dma2 semaphore(%run_scoped3A_359 : memref<!tpu.dma_semaphore, #tpu.memory_space<semaphore_mem>>) src(%dma_wait3A_383 : memref<128x128xf32, #tpu.memory_space<vmem>>) dst(%dma_wait3A_379 : memref<128x128xf32, #tpu.memory_space<vmem_shared>>)
      tpu.yield
    }) : () -> ()
    %mul3A_185 = arith.constant 640 : i32
    %mul3A_186 = arith.muli %arg1, %mul3A_185 : i32
    %add3A_187 = arith.constant 384 : i32
    %add3A_188 = arith.addi %mul3A_186, %add3A_187 : i32
    %multiple_of3A_189 = tpu.assume_multiple %add3A_188, 8 : i32
    %run_scoped3A_190 = arith.constant 0 : i32
    "tpu.region"() ({
      %run_scoped3A_359 = tpu.sem_alloc : memref<!tpu.dma_semaphore, #tpu.memory_space<semaphore_mem>>
      %dma_start3A_360 = arith.constant 0 : i32
      %dma_start3A_361 = arith.constant 0 : i32
      %dma_start3A_362 = tpu.memref_slice %arg11[%run_scoped3A_190, %dma_start3A_360, %dma_start3A_361] : memref<2x128x128xf32, #tpu.memory_space<vmem>> -> memref<1x128x128xf32, #tpu.memory_space<vmem>>
      %dma_start3A_363 = tpu.memref_squeeze %dma_start3A_362 : memref<1x128x128xf32, #tpu.memory_space<vmem>> -> memref<128x128xf32, #tpu.memory_space<vmem>>
      %dma_start3A_364 = arith.constant 0 : i32
      %dma_start3A_365 = tpu.memref_slice %arg7[%multiple_of3A_189, %dma_start3A_364] : memref<10240x128xf32, #tpu.memory_space<vmem_shared>> -> memref<128x128xf32, #tpu.memory_space<vmem_shared>>
      %dma_start3A_366 = arith.constant 0 : i32
      %dma_start3A_367 = tpu.memref_slice %arg7[%multiple_of3A_189, %dma_start3A_366] : memref<10240x128xf32, #tpu.memory_space<vmem_shared>> -> memref<128x128xf32, #tpu.memory_space<vmem_shared>>
      %dma_start3A_368 = arith.constant 0 : i32
      %dma_start3A_369 = arith.constant 0 : i32
      %dma_start3A_370 = tpu.memref_slice %arg11[%run_scoped3A_190, %dma_start3A_368, %dma_start3A_369] : memref<2x128x128xf32, #tpu.memory_space<vmem>> -> memref<1x128x128xf32, #tpu.memory_space<vmem>>
      %dma_start3A_371 = tpu.memref_squeeze %dma_start3A_370 : memref<1x128x128xf32, #tpu.memory_space<vmem>> -> memref<128x128xf32, #tpu.memory_space<vmem>>
      tpu.enqueue_dma source(%dma_start3A_371 : memref<128x128xf32, #tpu.memory_space<vmem>>) target(%dma_start3A_367 : memref<128x128xf32, #tpu.memory_space<vmem_shared>>) target_semaphore(%run_scoped3A_359 : memref<!tpu.dma_semaphore, #tpu.memory_space<semaphore_mem>>)
      %dma_wait3A_372 = arith.constant 0 : i32
      %dma_wait3A_373 = arith.constant 0 : i32
      %dma_wait3A_374 = tpu.memref_slice %arg11[%run_scoped3A_190, %dma_wait3A_372, %dma_wait3A_373] : memref<2x128x128xf32, #tpu.memory_space<vmem>> -> memref<1x128x128xf32, #tpu.memory_space<vmem>>
      %dma_wait3A_375 = tpu.memref_squeeze %dma_wait3A_374 : memref<1x128x128xf32, #tpu.memory_space<vmem>> -> memref<128x128xf32, #tpu.memory_space<vmem>>
      %dma_wait3A_376 = arith.constant 0 : i32
      %dma_wait3A_377 = tpu.memref_slice %arg7[%multiple_of3A_189, %dma_wait3A_376] : memref<10240x128xf32, #tpu.memory_space<vmem_shared>> -> memref<128x128xf32, #tpu.memory_space<vmem_shared>>
      %dma_wait3A_378 = arith.constant 0 : i32
      %dma_wait3A_379 = tpu.memref_slice %arg7[%multiple_of3A_189, %dma_wait3A_378] : memref<10240x128xf32, #tpu.memory_space<vmem_shared>> -> memref<128x128xf32, #tpu.memory_space<vmem_shared>>
      %dma_wait3A_380 = arith.constant 0 : i32
      %dma_wait3A_381 = arith.constant 0 : i32
      %dma_wait3A_382 = tpu.memref_slice %arg11[%run_scoped3A_190, %dma_wait3A_380, %dma_wait3A_381] : memref<2x128x128xf32, #tpu.memory_space<vmem>> -> memref<1x128x128xf32, #tpu.memory_space<vmem>>
      %dma_wait3A_383 = tpu.memref_squeeze %dma_wait3A_382 : memref<1x128x128xf32, #tpu.memory_space<vmem>> -> memref<128x128xf32, #tpu.memory_space<vmem>>
      tpu.wait_dma2 semaphore(%run_scoped3A_359 : memref<!tpu.dma_semaphore, #tpu.memory_space<semaphore_mem>>) src(%dma_wait3A_383 : memref<128x128xf32, #tpu.memory_space<vmem>>) dst(%dma_wait3A_379 : memref<128x128xf32, #tpu.memory_space<vmem_shared>>)
      tpu.yield
    }) : () -> ()
    %mul3A_191 = arith.constant 640 : i32
    %mul3A_192 = arith.muli %arg1, %mul3A_191 : i32
    %add3A_193 = arith.constant 512 : i32
    %add3A_194 = arith.addi %mul3A_192, %add3A_193 : i32
    %multiple_of3A_195 = tpu.assume_multiple %add3A_194, 8 : i32
    %run_scoped3A_196 = arith.constant 0 : i32
    "tpu.region"() ({
      %run_scoped3A_359 = tpu.sem_alloc : memref<!tpu.dma_semaphore, #tpu.memory_space<semaphore_mem>>
      %dma_start3A_360 = arith.constant 0 : i32
      %dma_start3A_361 = arith.constant 0 : i32
      %dma_start3A_362 = tpu.memref_slice %arg11[%run_scoped3A_196, %dma_start3A_360, %dma_start3A_361] : memref<2x128x128xf32, #tpu.memory_space<vmem>> -> memref<1x128x128xf32, #tpu.memory_space<vmem>>
      %dma_start3A_363 = tpu.memref_squeeze %dma_start3A_362 : memref<1x128x128xf32, #tpu.memory_space<vmem>> -> memref<128x128xf32, #tpu.memory_space<vmem>>
      %dma_start3A_364 = arith.constant 0 : i32
      %dma_start3A_365 = tpu.memref_slice %arg7[%multiple_of3A_195, %dma_start3A_364] : memref<10240x128xf32, #tpu.memory_space<vmem_shared>> -> memref<128x128xf32, #tpu.memory_space<vmem_shared>>
      %dma_start3A_366 = arith.constant 0 : i32
      %dma_start3A_367 = tpu.memref_slice %arg7[%multiple_of3A_195, %dma_start3A_366] : memref<10240x128xf32, #tpu.memory_space<vmem_shared>> -> memref<128x128xf32, #tpu.memory_space<vmem_shared>>
      %dma_start3A_368 = arith.constant 0 : i32
      %dma_start3A_369 = arith.constant 0 : i32
      %dma_start3A_370 = tpu.memref_slice %arg11[%run_scoped3A_196, %dma_start3A_368, %dma_start3A_369] : memref<2x128x128xf32, #tpu.memory_space<vmem>> -> memref<1x128x128xf32, #tpu.memory_space<vmem>>
      %dma_start3A_371 = tpu.memref_squeeze %dma_start3A_370 : memref<1x128x128xf32, #tpu.memory_space<vmem>> -> memref<128x128xf32, #tpu.memory_space<vmem>>
      tpu.enqueue_dma source(%dma_start3A_371 : memref<128x128xf32, #tpu.memory_space<vmem>>) target(%dma_start3A_367 : memref<128x128xf32, #tpu.memory_space<vmem_shared>>) target_semaphore(%run_scoped3A_359 : memref<!tpu.dma_semaphore, #tpu.memory_space<semaphore_mem>>)
      %dma_wait3A_372 = arith.constant 0 : i32
      %dma_wait3A_373 = arith.constant 0 : i32
      %dma_wait3A_374 = tpu.memref_slice %arg11[%run_scoped3A_196, %dma_wait3A_372, %dma_wait3A_373] : memref<2x128x128xf32, #tpu.memory_space<vmem>> -> memref<1x128x128xf32, #tpu.memory_space<vmem>>
      %dma_wait3A_375 = tpu.memref_squeeze %dma_wait3A_374 : memref<1x128x128xf32, #tpu.memory_space<vmem>> -> memref<128x128xf32, #tpu.memory_space<vmem>>
      %dma_wait3A_376 = arith.constant 0 : i32
      %dma_wait3A_377 = tpu.memref_slice %arg7[%multiple_of3A_195, %dma_wait3A_376] : memref<10240x128xf32, #tpu.memory_space<vmem_shared>> -> memref<128x128xf32, #tpu.memory_space<vmem_shared>>
      %dma_wait3A_378 = arith.constant 0 : i32
      %dma_wait3A_379 = tpu.memref_slice %arg7[%multiple_of3A_195, %dma_wait3A_378] : memref<10240x128xf32, #tpu.memory_space<vmem_shared>> -> memref<128x128xf32, #tpu.memory_space<vmem_shared>>
      %dma_wait3A_380 = arith.constant 0 : i32
      %dma_wait3A_381 = arith.constant 0 : i32
      %dma_wait3A_382 = tpu.memref_slice %arg11[%run_scoped3A_196, %dma_wait3A_380, %dma_wait3A_381] : memref<2x128x128xf32, #tpu.memory_space<vmem>> -> memref<1x128x128xf32, #tpu.memory_space<vmem>>
      %dma_wait3A_383 = tpu.memref_squeeze %dma_wait3A_382 : memref<1x128x128xf32, #tpu.memory_space<vmem>> -> memref<128x128xf32, #tpu.memory_space<vmem>>
      tpu.wait_dma2 semaphore(%run_scoped3A_359 : memref<!tpu.dma_semaphore, #tpu.memory_space<semaphore_mem>>) src(%dma_wait3A_383 : memref<128x128xf32, #tpu.memory_space<vmem>>) dst(%dma_wait3A_379 : memref<128x128xf32, #tpu.memory_space<vmem_shared>>)
      tpu.yield
    }) : () -> ()
    %mul3A_197 = arith.constant 640 : i32
    %mul3A_198 = arith.muli %arg1, %mul3A_197 : i32
    %multiple_of3A_199 = tpu.assume_multiple %mul3A_198, 8 : i32
    "tpu.region"() ({
      %run_scoped3A_359 = tpu.sem_alloc : memref<!tpu.dma_semaphore, #tpu.memory_space<semaphore_mem>>
      %dma_start3A_360 = tpu.memref_slice %arg8[%multiple_of3A_199] : memref<10240xf32, #tpu.memory_space<vmem_shared>> -> memref<640xf32, #tpu.memory_space<vmem_shared>>
      %dma_start3A_361 = tpu.memref_slice %arg8[%multiple_of3A_199] : memref<10240xf32, #tpu.memory_space<vmem_shared>> -> memref<640xf32, #tpu.memory_space<vmem_shared>>
      tpu.enqueue_dma source(%arg13 : memref<640xf32, #tpu.memory_space<vmem>>) target(%dma_start3A_361 : memref<640xf32, #tpu.memory_space<vmem_shared>>) target_semaphore(%run_scoped3A_359 : memref<!tpu.dma_semaphore, #tpu.memory_space<semaphore_mem>>)
      %dma_wait3A_362 = tpu.memref_slice %arg8[%multiple_of3A_199] : memref<10240xf32, #tpu.memory_space<vmem_shared>> -> memref<640xf32, #tpu.memory_space<vmem_shared>>
      %dma_wait3A_363 = tpu.memref_slice %arg8[%multiple_of3A_199] : memref<10240xf32, #tpu.memory_space<vmem_shared>> -> memref<640xf32, #tpu.memory_space<vmem_shared>>
      tpu.wait_dma2 semaphore(%run_scoped3A_359 : memref<!tpu.dma_semaphore, #tpu.memory_space<semaphore_mem>>) src(%arg13 : memref<640xf32, #tpu.memory_space<vmem>>) dst(%dma_wait3A_363 : memref<640xf32, #tpu.memory_space<vmem_shared>>)
      tpu.yield
    }) : () -> ()
    %barrier3A = arith.constant 0 : index
    tpu.barrier barrier_id(%barrier3A)
    %rem3A_200 = arith.constant 0 : i32
    %rem3A_201 = arith.constant 3 : i32
    %rem3A_202 = arith.remsi %rem3A_200, %rem3A_201 : i32
    %add3A_203 = arith.constant 0 : i32
    %add3A_204 = arith.addi %mul3A_2, %add3A_203 : i32
    %multiple_of3A_205 = tpu.assume_multiple %add3A_204, 8 : i32
    %rem3A_206 = arith.constant 0 : i32
    %rem3A_207 = arith.constant 3 : i32
    %rem3A_208 = arith.remsi %rem3A_206, %rem3A_207 : i32
    %dma_wait3A = arith.constant 0 : i32
    %dma_wait3A_209 = arith.constant 0 : i32
    %dma_wait3A_210 = tpu.memref_slice %arg9[%rem3A_202, %dma_wait3A, %dma_wait3A_209] : memref<3x8x128xi32, #tpu.memory_space<vmem>> -> memref<1x8x128xi32, #tpu.memory_space<vmem>>
    %dma_wait3A_211 = tpu.memref_squeeze %dma_wait3A_210 : memref<1x8x128xi32, #tpu.memory_space<vmem>> -> memref<8x128xi32, #tpu.memory_space<vmem>>
    %dma_wait3A_212 = arith.constant 0 : i32
    %dma_wait3A_213 = tpu.memref_slice %arg3[%multiple_of3A_205, %dma_wait3A_212] : memref<2560x128xi32, #tpu.memory_space<hbm>> -> memref<8x128xi32, #tpu.memory_space<hbm>>
    %dma_wait3A_214 = tpu.memref_slice %arg17[%rem3A_208] : memref<3x!tpu.dma_semaphore, #tpu.memory_space<semaphore_mem>> -> memref<1x!tpu.dma_semaphore, #tpu.memory_space<semaphore_mem>>
    %dma_wait3A_215 = tpu.memref_squeeze %dma_wait3A_214 : memref<1x!tpu.dma_semaphore, #tpu.memory_space<semaphore_mem>> -> memref<!tpu.dma_semaphore, #tpu.memory_space<semaphore_mem>>
    %dma_wait3A_216 = arith.constant 0 : i32
    %dma_wait3A_217 = arith.constant 0 : i32
    %dma_wait3A_218 = tpu.memref_slice %arg9[%rem3A_202, %dma_wait3A_216, %dma_wait3A_217] : memref<3x8x128xi32, #tpu.memory_space<vmem>> -> memref<1x8x128xi32, #tpu.memory_space<vmem>>
    %dma_wait3A_219 = tpu.memref_squeeze %dma_wait3A_218 : memref<1x8x128xi32, #tpu.memory_space<vmem>> -> memref<8x128xi32, #tpu.memory_space<vmem>>
    %dma_wait3A_220 = arith.constant 0 : i32
    %dma_wait3A_221 = tpu.memref_slice %arg3[%multiple_of3A_205, %dma_wait3A_220] : memref<2560x128xi32, #tpu.memory_space<hbm>> -> memref<8x128xi32, #tpu.memory_space<hbm>>
    tpu.wait_dma2 semaphore(%dma_wait3A_215 : memref<!tpu.dma_semaphore, #tpu.memory_space<semaphore_mem>>) src(%dma_wait3A_221 : memref<8x128xi32, #tpu.memory_space<hbm>>) dst(%dma_wait3A_219 : memref<8x128xi32, #tpu.memory_space<vmem>>)
    %dma_wait3A_222 = arith.constant 0 : i32
    %dma_wait3A_223 = arith.constant 0 : i32
    %dma_wait3A_224 = tpu.memref_slice %arg10[%rem3A_202, %dma_wait3A_222, %dma_wait3A_223] : memref<3x8x128xi32, #tpu.memory_space<vmem>> -> memref<1x8x128xi32, #tpu.memory_space<vmem>>
    %dma_wait3A_225 = tpu.memref_squeeze %dma_wait3A_224 : memref<1x8x128xi32, #tpu.memory_space<vmem>> -> memref<8x128xi32, #tpu.memory_space<vmem>>
    %dma_wait3A_226 = arith.constant 0 : i32
    %dma_wait3A_227 = tpu.memref_slice %arg4[%multiple_of3A_205, %dma_wait3A_226] : memref<2560x128xi32, #tpu.memory_space<hbm>> -> memref<8x128xi32, #tpu.memory_space<hbm>>
    %dma_wait3A_228 = tpu.memref_slice %arg17[%rem3A_208] : memref<3x!tpu.dma_semaphore, #tpu.memory_space<semaphore_mem>> -> memref<1x!tpu.dma_semaphore, #tpu.memory_space<semaphore_mem>>
    %dma_wait3A_229 = tpu.memref_squeeze %dma_wait3A_228 : memref<1x!tpu.dma_semaphore, #tpu.memory_space<semaphore_mem>> -> memref<!tpu.dma_semaphore, #tpu.memory_space<semaphore_mem>>
    %dma_wait3A_230 = arith.constant 0 : i32
    %dma_wait3A_231 = arith.constant 0 : i32
    %dma_wait3A_232 = tpu.memref_slice %arg10[%rem3A_202, %dma_wait3A_230, %dma_wait3A_231] : memref<3x8x128xi32, #tpu.memory_space<vmem>> -> memref<1x8x128xi32, #tpu.memory_space<vmem>>
    %dma_wait3A_233 = tpu.memref_squeeze %dma_wait3A_232 : memref<1x8x128xi32, #tpu.memory_space<vmem>> -> memref<8x128xi32, #tpu.memory_space<vmem>>
    %dma_wait3A_234 = arith.constant 0 : i32
    %dma_wait3A_235 = tpu.memref_slice %arg4[%multiple_of3A_205, %dma_wait3A_234] : memref<2560x128xi32, #tpu.memory_space<hbm>> -> memref<8x128xi32, #tpu.memory_space<hbm>>
    tpu.wait_dma2 semaphore(%dma_wait3A_229 : memref<!tpu.dma_semaphore, #tpu.memory_space<semaphore_mem>>) src(%dma_wait3A_235 : memref<8x128xi32, #tpu.memory_space<hbm>>) dst(%dma_wait3A_233 : memref<8x128xi32, #tpu.memory_space<vmem>>)
    %dma_start3A_236 = arith.constant 0 : i32
    %dma_start3A_237 = arith.constant 0 : i32
    %dma_start3A_238 = arith.constant 0 : i32
    %dma_start3A_239 = arith.constant 0 : i32
    %dma_start3A_240 = arith.constant 0 : i32
    %dma_start3A_241 = arith.constant 0 : i32
    %dma_start3A_242 = tpu.memref_slice %arg11[%dma_start3A_238, %dma_start3A_240, %dma_start3A_241] : memref<2x128x128xf32, #tpu.memory_space<vmem>> -> memref<1x128x128xf32, #tpu.memory_space<vmem>>
    %dma_start3A_243 = tpu.memref_squeeze %dma_start3A_242 : memref<1x128x128xf32, #tpu.memory_space<vmem>> -> memref<128x128xf32, #tpu.memory_space<vmem>>
    %dma_start3A_244 = arith.constant 0 : i32
    %dma_start3A_245 = tpu.memref_slice %arg10[%dma_start3A_236, %dma_start3A_237, %dma_start3A_244] : memref<3x8x128xi32, #tpu.memory_space<vmem>> -> memref<1x1x128xi32, #tpu.memory_space<vmem>>
    %dma_start3A_246 = tpu.memref_squeeze %dma_start3A_245 : memref<1x1x128xi32, #tpu.memory_space<vmem>> -> memref<128xi32, #tpu.memory_space<vmem>>
    %dma_start3A_247 = arith.constant 0 : i32
    %dma_start3A_248 = arith.constant 0 : i32
    %dma_start3A_249 = tpu.memref_slice %arg2[%dma_start3A_247, %dma_start3A_248] : memref<10000x128xf32, #tpu.memory_space<hbm>> -> memref<10000x128xf32, #tpu.memory_space<hbm>>
    %dma_start3A_250 = tpu.memref_slice %arg14[%dma_start3A_239] : memref<2x!tpu.dma_semaphore, #tpu.memory_space<semaphore_mem>> -> memref<1x!tpu.dma_semaphore, #tpu.memory_space<semaphore_mem>>
    %dma_start3A_251 = tpu.memref_squeeze %dma_start3A_250 : memref<1x!tpu.dma_semaphore, #tpu.memory_space<semaphore_mem>> -> memref<!tpu.dma_semaphore, #tpu.memory_space<semaphore_mem>>
    tpu.enqueue_indirect_dma source(%dma_start3A_249 : memref<10000x128xf32, #tpu.memory_space<hbm>>) target(%dma_start3A_243 : memref<128x128xf32, #tpu.memory_space<vmem>>) offsets(%dma_start3A_246 : memref<128xi32, #tpu.memory_space<vmem>>) semaphore(%dma_start3A_251 : memref<!tpu.dma_semaphore, #tpu.memory_space<semaphore_mem>>)
    %dma_start3A_252 = arith.constant 0 : i32
    %dma_start3A_253 = arith.constant 1 : i32
    %dma_start3A_254 = arith.constant 1 : i32
    %dma_start3A_255 = arith.constant 1 : i32
    %dma_start3A_256 = arith.constant 0 : i32
    %dma_start3A_257 = arith.constant 0 : i32
    %dma_start3A_258 = tpu.memref_slice %arg11[%dma_start3A_254, %dma_start3A_256, %dma_start3A_257] : memref<2x128x128xf32, #tpu.memory_space<vmem>> -> memref<1x128x128xf32, #tpu.memory_space<vmem>>
    %dma_start3A_259 = tpu.memref_squeeze %dma_start3A_258 : memref<1x128x128xf32, #tpu.memory_space<vmem>> -> memref<128x128xf32, #tpu.memory_space<vmem>>
    %dma_start3A_260 = arith.constant 0 : i32
    %dma_start3A_261 = tpu.memref_slice %arg10[%dma_start3A_252, %dma_start3A_253, %dma_start3A_260] : memref<3x8x128xi32, #tpu.memory_space<vmem>> -> memref<1x1x128xi32, #tpu.memory_space<vmem>>
    %dma_start3A_262 = tpu.memref_squeeze %dma_start3A_261 : memref<1x1x128xi32, #tpu.memory_space<vmem>> -> memref<128xi32, #tpu.memory_space<vmem>>
    %dma_start3A_263 = arith.constant 0 : i32
    %dma_start3A_264 = arith.constant 0 : i32
    %dma_start3A_265 = tpu.memref_slice %arg2[%dma_start3A_263, %dma_start3A_264] : memref<10000x128xf32, #tpu.memory_space<hbm>> -> memref<10000x128xf32, #tpu.memory_space<hbm>>
    %dma_start3A_266 = tpu.memref_slice %arg14[%dma_start3A_255] : memref<2x!tpu.dma_semaphore, #tpu.memory_space<semaphore_mem>> -> memref<1x!tpu.dma_semaphore, #tpu.memory_space<semaphore_mem>>
    %dma_start3A_267 = tpu.memref_squeeze %dma_start3A_266 : memref<1x!tpu.dma_semaphore, #tpu.memory_space<semaphore_mem>> -> memref<!tpu.dma_semaphore, #tpu.memory_space<semaphore_mem>>
    tpu.enqueue_indirect_dma source(%dma_start3A_265 : memref<10000x128xf32, #tpu.memory_space<hbm>>) target(%dma_start3A_259 : memref<128x128xf32, #tpu.memory_space<vmem>>) offsets(%dma_start3A_262 : memref<128xi32, #tpu.memory_space<vmem>>) semaphore(%dma_start3A_267 : memref<!tpu.dma_semaphore, #tpu.memory_space<semaphore_mem>>)
    %scan3A_268 = arith.constant 0 : i32
    %scan3A_269 = arith.constant 0 : i32
    %scan3A_270 = arith.constant 10 : i32
    %scan3A_271 = arith.addi %scan3A_269, %scan3A_270 : i32
    %scan3A_272 = arith.constant 1 : i32
    scf.for %scan3A_359 = %scan3A_269 to %scan3A_271 step %scan3A_272  : i32 {
      %rem3A_360 = arith.constant 3 : i32
      %rem3A_361 = arith.remsi %scan3A_359, %rem3A_360 : i32
      %add3A_362 = arith.constant 1 : i32
      %add3A_363 = arith.addi %scan3A_359, %add3A_362 : i32
      %rem3A_364 = arith.constant 3 : i32
      %rem3A_365 = arith.remsi %add3A_363, %rem3A_364 : i32
      %dma_wait3A_366 = arith.constant 0 : i32
      %dma_wait3A_367 = arith.constant 0 : i32
      %dma_wait3A_368 = arith.constant 0 : i32
      %dma_wait3A_369 = arith.constant 0 : i32
      %dma_wait3A_370 = arith.constant 0 : i32
      %dma_wait3A_371 = tpu.memref_slice %arg11[%dma_wait3A_367, %dma_wait3A_369, %dma_wait3A_370] : memref<2x128x128xf32, #tpu.memory_space<vmem>> -> memref<1x128x128xf32, #tpu.memory_space<vmem>>
      %dma_wait3A_372 = tpu.memref_squeeze %dma_wait3A_371 : memref<1x128x128xf32, #tpu.memory_space<vmem>> -> memref<128x128xf32, #tpu.memory_space<vmem>>
      %dma_wait3A_373 = arith.constant 0 : i32
      %dma_wait3A_374 = tpu.memref_slice %arg10[%rem3A_361, %dma_wait3A_366, %dma_wait3A_373] : memref<3x8x128xi32, #tpu.memory_space<vmem>> -> memref<1x1x128xi32, #tpu.memory_space<vmem>>
      %dma_wait3A_375 = tpu.memref_squeeze %dma_wait3A_374 : memref<1x1x128xi32, #tpu.memory_space<vmem>> -> memref<128xi32, #tpu.memory_space<vmem>>
      %dma_wait3A_376 = arith.constant 0 : i32
      %dma_wait3A_377 = arith.constant 0 : i32
      %dma_wait3A_378 = tpu.memref_slice %arg2[%dma_wait3A_376, %dma_wait3A_377] : memref<10000x128xf32, #tpu.memory_space<hbm>> -> memref<10000x128xf32, #tpu.memory_space<hbm>>
      %dma_wait3A_379 = tpu.memref_slice %arg14[%dma_wait3A_368] : memref<2x!tpu.dma_semaphore, #tpu.memory_space<semaphore_mem>> -> memref<1x!tpu.dma_semaphore, #tpu.memory_space<semaphore_mem>>
      %dma_wait3A_380 = tpu.memref_squeeze %dma_wait3A_379 : memref<1x!tpu.dma_semaphore, #tpu.memory_space<semaphore_mem>> -> memref<!tpu.dma_semaphore, #tpu.memory_space<semaphore_mem>>
      tpu.wait_indirect_dma semaphore(%dma_wait3A_380 : memref<!tpu.dma_semaphore, #tpu.memory_space<semaphore_mem>>) src(%dma_wait3A_378 : memref<10000x128xf32, #tpu.memory_space<hbm>>) dst(%dma_wait3A_372 : memref<128x128xf32, #tpu.memory_space<vmem>>)
      %dma_start3A_381 = arith.constant 0 : i32
      %dma_start3A_382 = arith.constant 0 : i32
      %dma_start3A_383 = arith.constant 0 : i32
      %dma_start3A_384 = arith.constant 0 : i32
      %dma_start3A_385 = arith.constant 0 : i32
      %dma_start3A_386 = tpu.memref_slice %arg11[%dma_start3A_381, %dma_start3A_384, %dma_start3A_385] : memref<2x128x128xf32, #tpu.memory_space<vmem>> -> memref<1x128x128xf32, #tpu.memory_space<vmem>>
      %dma_start3A_387 = tpu.memref_squeeze %dma_start3A_386 : memref<1x128x128xf32, #tpu.memory_space<vmem>> -> memref<128x128xf32, #tpu.memory_space<vmem>>
      %dma_start3A_388 = arith.constant 0 : i32
      %dma_start3A_389 = tpu.memref_slice %arg9[%rem3A_361, %dma_start3A_382, %dma_start3A_388] : memref<3x8x128xi32, #tpu.memory_space<vmem>> -> memref<1x1x128xi32, #tpu.memory_space<vmem>>
      %dma_start3A_390 = tpu.memref_squeeze %dma_start3A_389 : memref<1x1x128xi32, #tpu.memory_space<vmem>> -> memref<128xi32, #tpu.memory_space<vmem>>
      %dma_start3A_391 = arith.constant 0 : i32
      %dma_start3A_392 = arith.constant 0 : i32
      %dma_start3A_393 = tpu.memref_slice %arg7[%dma_start3A_391, %dma_start3A_392] : memref<10240x128xf32, #tpu.memory_space<vmem_shared>> -> memref<10240x128xf32, #tpu.memory_space<vmem_shared>>
      %dma_start3A_394 = tpu.memref_slice %arg15[%dma_start3A_383] : memref<2x!tpu.dma_semaphore, #tpu.memory_space<semaphore_mem>> -> memref<1x!tpu.dma_semaphore, #tpu.memory_space<semaphore_mem>>
      %dma_start3A_395 = tpu.memref_squeeze %dma_start3A_394 : memref<1x!tpu.dma_semaphore, #tpu.memory_space<semaphore_mem>> -> memref<!tpu.dma_semaphore, #tpu.memory_space<semaphore_mem>>
      tpu.enqueue_indirect_dma source(%dma_start3A_387 : memref<128x128xf32, #tpu.memory_space<vmem>>) target(%dma_start3A_393 : memref<10240x128xf32, #tpu.memory_space<vmem_shared>>) offsets(%dma_start3A_390 : memref<128xi32, #tpu.memory_space<vmem>>) semaphore(%dma_start3A_395 : memref<!tpu.dma_semaphore, #tpu.memory_space<semaphore_mem>>) {add = true}
      %dma_start3A_396 = arith.constant 0 : i32
      %dma_start3A_397 = arith.constant 0 : i32
      %dma_start3A_398 = tpu.memref_slice %arg9[%rem3A_361, %dma_start3A_396, %dma_start3A_397] : memref<3x8x128xi32, #tpu.memory_space<vmem>> -> memref<1x1x128xi32, #tpu.memory_space<vmem>>
      %dma_start3A_399 = tpu.memref_squeeze %dma_start3A_398 : memref<1x1x128xi32, #tpu.memory_space<vmem>> -> memref<128xi32, #tpu.memory_space<vmem>>
      %dma_start3A_400 = arith.constant 0 : i32
      %dma_start3A_401 = tpu.memref_slice %arg8[%dma_start3A_400] : memref<10240xf32, #tpu.memory_space<vmem_shared>> -> memref<10240xf32, #tpu.memory_space<vmem_shared>>
      tpu.enqueue_indirect_dma source(%arg12 : memref<128xf32, #tpu.memory_space<vmem>>) target(%dma_start3A_401 : memref<10240xf32, #tpu.memory_space<vmem_shared>>) offsets(%dma_start3A_399 : memref<128xi32, #tpu.memory_space<vmem>>) semaphore(%arg16 : memref<!tpu.dma_semaphore, #tpu.memory_space<semaphore_mem>>) {add = true}
      %dma_wait3A_402 = arith.constant 1 : i32
      %dma_wait3A_403 = arith.constant 1 : i32
      %dma_wait3A_404 = arith.constant 1 : i32
      %dma_wait3A_405 = arith.constant 0 : i32
      %dma_wait3A_406 = arith.constant 0 : i32
      %dma_wait3A_407 = tpu.memref_slice %arg11[%dma_wait3A_403, %dma_wait3A_405, %dma_wait3A_406] : memref<2x128x128xf32, #tpu.memory_space<vmem>> -> memref<1x128x128xf32, #tpu.memory_space<vmem>>
      %dma_wait3A_408 = tpu.memref_squeeze %dma_wait3A_407 : memref<1x128x128xf32, #tpu.memory_space<vmem>> -> memref<128x128xf32, #tpu.memory_space<vmem>>
      %dma_wait3A_409 = arith.constant 0 : i32
      %dma_wait3A_410 = tpu.memref_slice %arg10[%rem3A_361, %dma_wait3A_402, %dma_wait3A_409] : memref<3x8x128xi32, #tpu.memory_space<vmem>> -> memref<1x1x128xi32, #tpu.memory_space<vmem>>
      %dma_wait3A_411 = tpu.memref_squeeze %dma_wait3A_410 : memref<1x1x128xi32, #tpu.memory_space<vmem>> -> memref<128xi32, #tpu.memory_space<vmem>>
      %dma_wait3A_412 = arith.constant 0 : i32
      %dma_wait3A_413 = arith.constant 0 : i32
      %dma_wait3A_414 = tpu.memref_slice %arg2[%dma_wait3A_412, %dma_wait3A_413] : memref<10000x128xf32, #tpu.memory_space<hbm>> -> memref<10000x128xf32, #tpu.memory_space<hbm>>
      %dma_wait3A_415 = tpu.memref_slice %arg14[%dma_wait3A_404] : memref<2x!tpu.dma_semaphore, #tpu.memory_space<semaphore_mem>> -> memref<1x!tpu.dma_semaphore, #tpu.memory_space<semaphore_mem>>
      %dma_wait3A_416 = tpu.memref_squeeze %dma_wait3A_415 : memref<1x!tpu.dma_semaphore, #tpu.memory_space<semaphore_mem>> -> memref<!tpu.dma_semaphore, #tpu.memory_space<semaphore_mem>>
      tpu.wait_indirect_dma semaphore(%dma_wait3A_416 : memref<!tpu.dma_semaphore, #tpu.memory_space<semaphore_mem>>) src(%dma_wait3A_414 : memref<10000x128xf32, #tpu.memory_space<hbm>>) dst(%dma_wait3A_408 : memref<128x128xf32, #tpu.memory_space<vmem>>)
      %dma_start3A_417 = arith.constant 1 : i32
      %dma_start3A_418 = arith.constant 1 : i32
      %dma_start3A_419 = arith.constant 1 : i32
      %dma_start3A_420 = arith.constant 0 : i32
      %dma_start3A_421 = arith.constant 0 : i32
      %dma_start3A_422 = tpu.memref_slice %arg11[%dma_start3A_417, %dma_start3A_420, %dma_start3A_421] : memref<2x128x128xf32, #tpu.memory_space<vmem>> -> memref<1x128x128xf32, #tpu.memory_space<vmem>>
      %dma_start3A_423 = tpu.memref_squeeze %dma_start3A_422 : memref<1x128x128xf32, #tpu.memory_space<vmem>> -> memref<128x128xf32, #tpu.memory_space<vmem>>
      %dma_start3A_424 = arith.constant 0 : i32
      %dma_start3A_425 = tpu.memref_slice %arg9[%rem3A_361, %dma_start3A_418, %dma_start3A_424] : memref<3x8x128xi32, #tpu.memory_space<vmem>> -> memref<1x1x128xi32, #tpu.memory_space<vmem>>
      %dma_start3A_426 = tpu.memref_squeeze %dma_start3A_425 : memref<1x1x128xi32, #tpu.memory_space<vmem>> -> memref<128xi32, #tpu.memory_space<vmem>>
      %dma_start3A_427 = arith.constant 0 : i32
      %dma_start3A_428 = arith.constant 0 : i32
      %dma_start3A_429 = tpu.memref_slice %arg7[%dma_start3A_427, %dma_start3A_428] : memref<10240x128xf32, #tpu.memory_space<vmem_shared>> -> memref<10240x128xf32, #tpu.memory_space<vmem_shared>>
      %dma_start3A_430 = tpu.memref_slice %arg15[%dma_start3A_419] : memref<2x!tpu.dma_semaphore, #tpu.memory_space<semaphore_mem>> -> memref<1x!tpu.dma_semaphore, #tpu.memory_space<semaphore_mem>>
      %dma_start3A_431 = tpu.memref_squeeze %dma_start3A_430 : memref<1x!tpu.dma_semaphore, #tpu.memory_space<semaphore_mem>> -> memref<!tpu.dma_semaphore, #tpu.memory_space<semaphore_mem>>
      tpu.enqueue_indirect_dma source(%dma_start3A_423 : memref<128x128xf32, #tpu.memory_space<vmem>>) target(%dma_start3A_429 : memref<10240x128xf32, #tpu.memory_space<vmem_shared>>) offsets(%dma_start3A_426 : memref<128xi32, #tpu.memory_space<vmem>>) semaphore(%dma_start3A_431 : memref<!tpu.dma_semaphore, #tpu.memory_space<semaphore_mem>>) {add = true}
      %dma_start3A_432 = arith.constant 1 : i32
      %dma_start3A_433 = arith.constant 0 : i32
      %dma_start3A_434 = tpu.memref_slice %arg9[%rem3A_361, %dma_start3A_432, %dma_start3A_433] : memref<3x8x128xi32, #tpu.memory_space<vmem>> -> memref<1x1x128xi32, #tpu.memory_space<vmem>>
      %dma_start3A_435 = tpu.memref_squeeze %dma_start3A_434 : memref<1x1x128xi32, #tpu.memory_space<vmem>> -> memref<128xi32, #tpu.memory_space<vmem>>
      %dma_start3A_436 = arith.constant 0 : i32
      %dma_start3A_437 = tpu.memref_slice %arg8[%dma_start3A_436] : memref<10240xf32, #tpu.memory_space<vmem_shared>> -> memref<10240xf32, #tpu.memory_space<vmem_shared>>
      tpu.enqueue_indirect_dma source(%arg12 : memref<128xf32, #tpu.memory_space<vmem>>) target(%dma_start3A_437 : memref<10240xf32, #tpu.memory_space<vmem_shared>>) offsets(%dma_start3A_435 : memref<128xi32, #tpu.memory_space<vmem>>) semaphore(%arg16 : memref<!tpu.dma_semaphore, #tpu.memory_space<semaphore_mem>>) {add = true}
      %dma_wait3A_438 = arith.constant 0 : i32
      %dma_wait3A_439 = arith.constant 0 : i32
      %dma_wait3A_440 = arith.constant 0 : i32
      %dma_wait3A_441 = arith.constant 0 : i32
      %dma_wait3A_442 = arith.constant 0 : i32
      %dma_wait3A_443 = tpu.memref_slice %arg11[%dma_wait3A_438, %dma_wait3A_441, %dma_wait3A_442] : memref<2x128x128xf32, #tpu.memory_space<vmem>> -> memref<1x128x128xf32, #tpu.memory_space<vmem>>
      %dma_wait3A_444 = tpu.memref_squeeze %dma_wait3A_443 : memref<1x128x128xf32, #tpu.memory_space<vmem>> -> memref<128x128xf32, #tpu.memory_space<vmem>>
      %dma_wait3A_445 = arith.constant 0 : i32
      %dma_wait3A_446 = tpu.memref_slice %arg9[%rem3A_361, %dma_wait3A_439, %dma_wait3A_445] : memref<3x8x128xi32, #tpu.memory_space<vmem>> -> memref<1x1x128xi32, #tpu.memory_space<vmem>>
      %dma_wait3A_447 = tpu.memref_squeeze %dma_wait3A_446 : memref<1x1x128xi32, #tpu.memory_space<vmem>> -> memref<128xi32, #tpu.memory_space<vmem>>
      %dma_wait3A_448 = arith.constant 0 : i32
      %dma_wait3A_449 = arith.constant 0 : i32
      %dma_wait3A_450 = tpu.memref_slice %arg7[%dma_wait3A_448, %dma_wait3A_449] : memref<10240x128xf32, #tpu.memory_space<vmem_shared>> -> memref<10240x128xf32, #tpu.memory_space<vmem_shared>>
      %dma_wait3A_451 = tpu.memref_slice %arg15[%dma_wait3A_440] : memref<2x!tpu.dma_semaphore, #tpu.memory_space<semaphore_mem>> -> memref<1x!tpu.dma_semaphore, #tpu.memory_space<semaphore_mem>>
      %dma_wait3A_452 = tpu.memref_squeeze %dma_wait3A_451 : memref<1x!tpu.dma_semaphore, #tpu.memory_space<semaphore_mem>> -> memref<!tpu.dma_semaphore, #tpu.memory_space<semaphore_mem>>
      tpu.wait_indirect_dma semaphore(%dma_wait3A_452 : memref<!tpu.dma_semaphore, #tpu.memory_space<semaphore_mem>>) src(%dma_wait3A_444 : memref<128x128xf32, #tpu.memory_space<vmem>>) dst(%dma_wait3A_450 : memref<10240x128xf32, #tpu.memory_space<vmem_shared>>)
      %dma_start3A_453 = arith.constant 2 : i32
      %dma_start3A_454 = arith.constant 0 : i32
      %dma_start3A_455 = arith.constant 0 : i32
      %dma_start3A_456 = arith.constant 0 : i32
      %dma_start3A_457 = arith.constant 0 : i32
      %dma_start3A_458 = tpu.memref_slice %arg11[%dma_start3A_454, %dma_start3A_456, %dma_start3A_457] : memref<2x128x128xf32, #tpu.memory_space<vmem>> -> memref<1x128x128xf32, #tpu.memory_space<vmem>>
      %dma_start3A_459 = tpu.memref_squeeze %dma_start3A_458 : memref<1x128x128xf32, #tpu.memory_space<vmem>> -> memref<128x128xf32, #tpu.memory_space<vmem>>
      %dma_start3A_460 = arith.constant 0 : i32
      %dma_start3A_461 = tpu.memref_slice %arg10[%rem3A_361, %dma_start3A_453, %dma_start3A_460] : memref<3x8x128xi32, #tpu.memory_space<vmem>> -> memref<1x1x128xi32, #tpu.memory_space<vmem>>
      %dma_start3A_462 = tpu.memref_squeeze %dma_start3A_461 : memref<1x1x128xi32, #tpu.memory_space<vmem>> -> memref<128xi32, #tpu.memory_space<vmem>>
      %dma_start3A_463 = arith.constant 0 : i32
      %dma_start3A_464 = arith.constant 0 : i32
      %dma_start3A_465 = tpu.memref_slice %arg2[%dma_start3A_463, %dma_start3A_464] : memref<10000x128xf32, #tpu.memory_space<hbm>> -> memref<10000x128xf32, #tpu.memory_space<hbm>>
      %dma_start3A_466 = tpu.memref_slice %arg14[%dma_start3A_455] : memref<2x!tpu.dma_semaphore, #tpu.memory_space<semaphore_mem>> -> memref<1x!tpu.dma_semaphore, #tpu.memory_space<semaphore_mem>>
      %dma_start3A_467 = tpu.memref_squeeze %dma_start3A_466 : memref<1x!tpu.dma_semaphore, #tpu.memory_space<semaphore_mem>> -> memref<!tpu.dma_semaphore, #tpu.memory_space<semaphore_mem>>
      tpu.enqueue_indirect_dma source(%dma_start3A_465 : memref<10000x128xf32, #tpu.memory_space<hbm>>) target(%dma_start3A_459 : memref<128x128xf32, #tpu.memory_space<vmem>>) offsets(%dma_start3A_462 : memref<128xi32, #tpu.memory_space<vmem>>) semaphore(%dma_start3A_467 : memref<!tpu.dma_semaphore, #tpu.memory_space<semaphore_mem>>)
      %dma_wait3A_468 = arith.constant 1 : i32
      %dma_wait3A_469 = arith.constant 1 : i32
      %dma_wait3A_470 = arith.constant 1 : i32
      %dma_wait3A_471 = arith.constant 0 : i32
      %dma_wait3A_472 = arith.constant 0 : i32
      %dma_wait3A_473 = tpu.memref_slice %arg11[%dma_wait3A_468, %dma_wait3A_471, %dma_wait3A_472] : memref<2x128x128xf32, #tpu.memory_space<vmem>> -> memref<1x128x128xf32, #tpu.memory_space<vmem>>
      %dma_wait3A_474 = tpu.memref_squeeze %dma_wait3A_473 : memref<1x128x128xf32, #tpu.memory_space<vmem>> -> memref<128x128xf32, #tpu.memory_space<vmem>>
      %dma_wait3A_475 = arith.constant 0 : i32
      %dma_wait3A_476 = tpu.memref_slice %arg9[%rem3A_361, %dma_wait3A_469, %dma_wait3A_475] : memref<3x8x128xi32, #tpu.memory_space<vmem>> -> memref<1x1x128xi32, #tpu.memory_space<vmem>>
      %dma_wait3A_477 = tpu.memref_squeeze %dma_wait3A_476 : memref<1x1x128xi32, #tpu.memory_space<vmem>> -> memref<128xi32, #tpu.memory_space<vmem>>
      %dma_wait3A_478 = arith.constant 0 : i32
      %dma_wait3A_479 = arith.constant 0 : i32
      %dma_wait3A_480 = tpu.memref_slice %arg7[%dma_wait3A_478, %dma_wait3A_479] : memref<10240x128xf32, #tpu.memory_space<vmem_shared>> -> memref<10240x128xf32, #tpu.memory_space<vmem_shared>>
      %dma_wait3A_481 = tpu.memref_slice %arg15[%dma_wait3A_470] : memref<2x!tpu.dma_semaphore, #tpu.memory_space<semaphore_mem>> -> memref<1x!tpu.dma_semaphore, #tpu.memory_space<semaphore_mem>>
      %dma_wait3A_482 = tpu.memref_squeeze %dma_wait3A_481 : memref<1x!tpu.dma_semaphore, #tpu.memory_space<semaphore_mem>> -> memref<!tpu.dma_semaphore, #tpu.memory_space<semaphore_mem>>
      tpu.wait_indirect_dma semaphore(%dma_wait3A_482 : memref<!tpu.dma_semaphore, #tpu.memory_space<semaphore_mem>>) src(%dma_wait3A_474 : memref<128x128xf32, #tpu.memory_space<vmem>>) dst(%dma_wait3A_480 : memref<10240x128xf32, #tpu.memory_space<vmem_shared>>)
      %dma_start3A_483 = arith.constant 3 : i32
      %dma_start3A_484 = arith.constant 1 : i32
      %dma_start3A_485 = arith.constant 1 : i32
      %dma_start3A_486 = arith.constant 0 : i32
      %dma_start3A_487 = arith.constant 0 : i32
      %dma_start3A_488 = tpu.memref_slice %arg11[%dma_start3A_484, %dma_start3A_486, %dma_start3A_487] : memref<2x128x128xf32, #tpu.memory_space<vmem>> -> memref<1x128x128xf32, #tpu.memory_space<vmem>>
      %dma_start3A_489 = tpu.memref_squeeze %dma_start3A_488 : memref<1x128x128xf32, #tpu.memory_space<vmem>> -> memref<128x128xf32, #tpu.memory_space<vmem>>
      %dma_start3A_490 = arith.constant 0 : i32
      %dma_start3A_491 = tpu.memref_slice %arg10[%rem3A_361, %dma_start3A_483, %dma_start3A_490] : memref<3x8x128xi32, #tpu.memory_space<vmem>> -> memref<1x1x128xi32, #tpu.memory_space<vmem>>
      %dma_start3A_492 = tpu.memref_squeeze %dma_start3A_491 : memref<1x1x128xi32, #tpu.memory_space<vmem>> -> memref<128xi32, #tpu.memory_space<vmem>>
      %dma_start3A_493 = arith.constant 0 : i32
      %dma_start3A_494 = arith.constant 0 : i32
      %dma_start3A_495 = tpu.memref_slice %arg2[%dma_start3A_493, %dma_start3A_494] : memref<10000x128xf32, #tpu.memory_space<hbm>> -> memref<10000x128xf32, #tpu.memory_space<hbm>>
      %dma_start3A_496 = tpu.memref_slice %arg14[%dma_start3A_485] : memref<2x!tpu.dma_semaphore, #tpu.memory_space<semaphore_mem>> -> memref<1x!tpu.dma_semaphore, #tpu.memory_space<semaphore_mem>>
      %dma_start3A_497 = tpu.memref_squeeze %dma_start3A_496 : memref<1x!tpu.dma_semaphore, #tpu.memory_space<semaphore_mem>> -> memref<!tpu.dma_semaphore, #tpu.memory_space<semaphore_mem>>
      tpu.enqueue_indirect_dma source(%dma_start3A_495 : memref<10000x128xf32, #tpu.memory_space<hbm>>) target(%dma_start3A_489 : memref<128x128xf32, #tpu.memory_space<vmem>>) offsets(%dma_start3A_492 : memref<128xi32, #tpu.memory_space<vmem>>) semaphore(%dma_start3A_497 : memref<!tpu.dma_semaphore, #tpu.memory_space<semaphore_mem>>)
      %dma_wait3A_498 = arith.constant 2 : i32
      %dma_wait3A_499 = arith.constant 0 : i32
      %dma_wait3A_500 = arith.constant 0 : i32
      %dma_wait3A_501 = arith.constant 0 : i32
      %dma_wait3A_502 = arith.constant 0 : i32
      %dma_wait3A_503 = tpu.memref_slice %arg11[%dma_wait3A_499, %dma_wait3A_501, %dma_wait3A_502] : memref<2x128x128xf32, #tpu.memory_space<vmem>> -> memref<1x128x128xf32, #tpu.memory_space<vmem>>
      %dma_wait3A_504 = tpu.memref_squeeze %dma_wait3A_503 : memref<1x128x128xf32, #tpu.memory_space<vmem>> -> memref<128x128xf32, #tpu.memory_space<vmem>>
      %dma_wait3A_505 = arith.constant 0 : i32
      %dma_wait3A_506 = tpu.memref_slice %arg10[%rem3A_361, %dma_wait3A_498, %dma_wait3A_505] : memref<3x8x128xi32, #tpu.memory_space<vmem>> -> memref<1x1x128xi32, #tpu.memory_space<vmem>>
      %dma_wait3A_507 = tpu.memref_squeeze %dma_wait3A_506 : memref<1x1x128xi32, #tpu.memory_space<vmem>> -> memref<128xi32, #tpu.memory_space<vmem>>
      %dma_wait3A_508 = arith.constant 0 : i32
      %dma_wait3A_509 = arith.constant 0 : i32
      %dma_wait3A_510 = tpu.memref_slice %arg2[%dma_wait3A_508, %dma_wait3A_509] : memref<10000x128xf32, #tpu.memory_space<hbm>> -> memref<10000x128xf32, #tpu.memory_space<hbm>>
      %dma_wait3A_511 = tpu.memref_slice %arg14[%dma_wait3A_500] : memref<2x!tpu.dma_semaphore, #tpu.memory_space<semaphore_mem>> -> memref<1x!tpu.dma_semaphore, #tpu.memory_space<semaphore_mem>>
      %dma_wait3A_512 = tpu.memref_squeeze %dma_wait3A_511 : memref<1x!tpu.dma_semaphore, #tpu.memory_space<semaphore_mem>> -> memref<!tpu.dma_semaphore, #tpu.memory_space<semaphore_mem>>
      tpu.wait_indirect_dma semaphore(%dma_wait3A_512 : memref<!tpu.dma_semaphore, #tpu.memory_space<semaphore_mem>>) src(%dma_wait3A_510 : memref<10000x128xf32, #tpu.memory_space<hbm>>) dst(%dma_wait3A_504 : memref<128x128xf32, #tpu.memory_space<vmem>>)
      %dma_start3A_513 = arith.constant 0 : i32
      %dma_start3A_514 = arith.constant 2 : i32
      %dma_start3A_515 = arith.constant 0 : i32
      %dma_start3A_516 = arith.constant 0 : i32
      %dma_start3A_517 = arith.constant 0 : i32
      %dma_start3A_518 = tpu.memref_slice %arg11[%dma_start3A_513, %dma_start3A_516, %dma_start3A_517] : memref<2x128x128xf32, #tpu.memory_space<vmem>> -> memref<1x128x128xf32, #tpu.memory_space<vmem>>
      %dma_start3A_519 = tpu.memref_squeeze %dma_start3A_518 : memref<1x128x128xf32, #tpu.memory_space<vmem>> -> memref<128x128xf32, #tpu.memory_space<vmem>>
      %dma_start3A_520 = arith.constant 0 : i32
      %dma_start3A_521 = tpu.memref_slice %arg9[%rem3A_361, %dma_start3A_514, %dma_start3A_520] : memref<3x8x128xi32, #tpu.memory_space<vmem>> -> memref<1x1x128xi32, #tpu.memory_space<vmem>>
      %dma_start3A_522 = tpu.memref_squeeze %dma_start3A_521 : memref<1x1x128xi32, #tpu.memory_space<vmem>> -> memref<128xi32, #tpu.memory_space<vmem>>
      %dma_start3A_523 = arith.constant 0 : i32
      %dma_start3A_524 = arith.constant 0 : i32
      %dma_start3A_525 = tpu.memref_slice %arg7[%dma_start3A_523, %dma_start3A_524] : memref<10240x128xf32, #tpu.memory_space<vmem_shared>> -> memref<10240x128xf32, #tpu.memory_space<vmem_shared>>
      %dma_start3A_526 = tpu.memref_slice %arg15[%dma_start3A_515] : memref<2x!tpu.dma_semaphore, #tpu.memory_space<semaphore_mem>> -> memref<1x!tpu.dma_semaphore, #tpu.memory_space<semaphore_mem>>
      %dma_start3A_527 = tpu.memref_squeeze %dma_start3A_526 : memref<1x!tpu.dma_semaphore, #tpu.memory_space<semaphore_mem>> -> memref<!tpu.dma_semaphore, #tpu.memory_space<semaphore_mem>>
      tpu.enqueue_indirect_dma source(%dma_start3A_519 : memref<128x128xf32, #tpu.memory_space<vmem>>) target(%dma_start3A_525 : memref<10240x128xf32, #tpu.memory_space<vmem_shared>>) offsets(%dma_start3A_522 : memref<128xi32, #tpu.memory_space<vmem>>) semaphore(%dma_start3A_527 : memref<!tpu.dma_semaphore, #tpu.memory_space<semaphore_mem>>) {add = true}
      %dma_start3A_528 = arith.constant 2 : i32
      %dma_start3A_529 = arith.constant 0 : i32
      %dma_start3A_530 = tpu.memref_slice %arg9[%rem3A_361, %dma_start3A_528, %dma_start3A_529] : memref<3x8x128xi32, #tpu.memory_space<vmem>> -> memref<1x1x128xi32, #tpu.memory_space<vmem>>
      %dma_start3A_531 = tpu.memref_squeeze %dma_start3A_530 : memref<1x1x128xi32, #tpu.memory_space<vmem>> -> memref<128xi32, #tpu.memory_space<vmem>>
      %dma_start3A_532 = arith.constant 0 : i32
      %dma_start3A_533 = tpu.memref_slice %arg8[%dma_start3A_532] : memref<10240xf32, #tpu.memory_space<vmem_shared>> -> memref<10240xf32, #tpu.memory_space<vmem_shared>>
      tpu.enqueue_indirect_dma source(%arg12 : memref<128xf32, #tpu.memory_space<vmem>>) target(%dma_start3A_533 : memref<10240xf32, #tpu.memory_space<vmem_shared>>) offsets(%dma_start3A_531 : memref<128xi32, #tpu.memory_space<vmem>>) semaphore(%arg16 : memref<!tpu.dma_semaphore, #tpu.memory_space<semaphore_mem>>) {add = true}
      %dma_wait3A_534 = arith.constant 3 : i32
      %dma_wait3A_535 = arith.constant 1 : i32
      %dma_wait3A_536 = arith.constant 1 : i32
      %dma_wait3A_537 = arith.constant 0 : i32
      %dma_wait3A_538 = arith.constant 0 : i32
      %dma_wait3A_539 = tpu.memref_slice %arg11[%dma_wait3A_535, %dma_wait3A_537, %dma_wait3A_538] : memref<2x128x128xf32, #tpu.memory_space<vmem>> -> memref<1x128x128xf32, #tpu.memory_space<vmem>>
      %dma_wait3A_540 = tpu.memref_squeeze %dma_wait3A_539 : memref<1x128x128xf32, #tpu.memory_space<vmem>> -> memref<128x128xf32, #tpu.memory_space<vmem>>
      %dma_wait3A_541 = arith.constant 0 : i32
      %dma_wait3A_542 = tpu.memref_slice %arg10[%rem3A_361, %dma_wait3A_534, %dma_wait3A_541] : memref<3x8x128xi32, #tpu.memory_space<vmem>> -> memref<1x1x128xi32, #tpu.memory_space<vmem>>
      %dma_wait3A_543 = tpu.memref_squeeze %dma_wait3A_542 : memref<1x1x128xi32, #tpu.memory_space<vmem>> -> memref<128xi32, #tpu.memory_space<vmem>>
      %dma_wait3A_544 = arith.constant 0 : i32
      %dma_wait3A_545 = arith.constant 0 : i32
      %dma_wait3A_546 = tpu.memref_slice %arg2[%dma_wait3A_544, %dma_wait3A_545] : memref<10000x128xf32, #tpu.memory_space<hbm>> -> memref<10000x128xf32, #tpu.memory_space<hbm>>
      %dma_wait3A_547 = tpu.memref_slice %arg14[%dma_wait3A_536] : memref<2x!tpu.dma_semaphore, #tpu.memory_space<semaphore_mem>> -> memref<1x!tpu.dma_semaphore, #tpu.memory_space<semaphore_mem>>
      %dma_wait3A_548 = tpu.memref_squeeze %dma_wait3A_547 : memref<1x!tpu.dma_semaphore, #tpu.memory_space<semaphore_mem>> -> memref<!tpu.dma_semaphore, #tpu.memory_space<semaphore_mem>>
      tpu.wait_indirect_dma semaphore(%dma_wait3A_548 : memref<!tpu.dma_semaphore, #tpu.memory_space<semaphore_mem>>) src(%dma_wait3A_546 : memref<10000x128xf32, #tpu.memory_space<hbm>>) dst(%dma_wait3A_540 : memref<128x128xf32, #tpu.memory_space<vmem>>)
      %dma_start3A_549 = arith.constant 1 : i32
      %dma_start3A_550 = arith.constant 3 : i32
      %dma_start3A_551 = arith.constant 1 : i32
      %dma_start3A_552 = arith.constant 0 : i32
      %dma_start3A_553 = arith.constant 0 : i32
      %dma_start3A_554 = tpu.memref_slice %arg11[%dma_start3A_549, %dma_start3A_552, %dma_start3A_553] : memref<2x128x128xf32, #tpu.memory_space<vmem>> -> memref<1x128x128xf32, #tpu.memory_space<vmem>>
      %dma_start3A_555 = tpu.memref_squeeze %dma_start3A_554 : memref<1x128x128xf32, #tpu.memory_space<vmem>> -> memref<128x128xf32, #tpu.memory_space<vmem>>
      %dma_start3A_556 = arith.constant 0 : i32
      %dma_start3A_557 = tpu.memref_slice %arg9[%rem3A_361, %dma_start3A_550, %dma_start3A_556] : memref<3x8x128xi32, #tpu.memory_space<vmem>> -> memref<1x1x128xi32, #tpu.memory_space<vmem>>
      %dma_start3A_558 = tpu.memref_squeeze %dma_start3A_557 : memref<1x1x128xi32, #tpu.memory_space<vmem>> -> memref<128xi32, #tpu.memory_space<vmem>>
      %dma_start3A_559 = arith.constant 0 : i32
      %dma_start3A_560 = arith.constant 0 : i32
      %dma_start3A_561 = tpu.memref_slice %arg7[%dma_start3A_559, %dma_start3A_560] : memref<10240x128xf32, #tpu.memory_space<vmem_shared>> -> memref<10240x128xf32, #tpu.memory_space<vmem_shared>>
      %dma_start3A_562 = tpu.memref_slice %arg15[%dma_start3A_551] : memref<2x!tpu.dma_semaphore, #tpu.memory_space<semaphore_mem>> -> memref<1x!tpu.dma_semaphore, #tpu.memory_space<semaphore_mem>>
      %dma_start3A_563 = tpu.memref_squeeze %dma_start3A_562 : memref<1x!tpu.dma_semaphore, #tpu.memory_space<semaphore_mem>> -> memref<!tpu.dma_semaphore, #tpu.memory_space<semaphore_mem>>
      tpu.enqueue_indirect_dma source(%dma_start3A_555 : memref<128x128xf32, #tpu.memory_space<vmem>>) target(%dma_start3A_561 : memref<10240x128xf32, #tpu.memory_space<vmem_shared>>) offsets(%dma_start3A_558 : memref<128xi32, #tpu.memory_space<vmem>>) semaphore(%dma_start3A_563 : memref<!tpu.dma_semaphore, #tpu.memory_space<semaphore_mem>>) {add = true}
      %dma_start3A_564 = arith.constant 3 : i32
      %dma_start3A_565 = arith.constant 0 : i32
      %dma_start3A_566 = tpu.memref_slice %arg9[%rem3A_361, %dma_start3A_564, %dma_start3A_565] : memref<3x8x128xi32, #tpu.memory_space<vmem>> -> memref<1x1x128xi32, #tpu.memory_space<vmem>>
      %dma_start3A_567 = tpu.memref_squeeze %dma_start3A_566 : memref<1x1x128xi32, #tpu.memory_space<vmem>> -> memref<128xi32, #tpu.memory_space<vmem>>
      %dma_start3A_568 = arith.constant 0 : i32
      %dma_start3A_569 = tpu.memref_slice %arg8[%dma_start3A_568] : memref<10240xf32, #tpu.memory_space<vmem_shared>> -> memref<10240xf32, #tpu.memory_space<vmem_shared>>
      tpu.enqueue_indirect_dma source(%arg12 : memref<128xf32, #tpu.memory_space<vmem>>) target(%dma_start3A_569 : memref<10240xf32, #tpu.memory_space<vmem_shared>>) offsets(%dma_start3A_567 : memref<128xi32, #tpu.memory_space<vmem>>) semaphore(%arg16 : memref<!tpu.dma_semaphore, #tpu.memory_space<semaphore_mem>>) {add = true}
      %ge3A = arith.constant 1 : i32
      %ge3A_570 = arith.cmpi sge, %scan3A_359, %ge3A : i32
      %convert_element_type3A = arith.extui %ge3A_570 : i1 to i32
      %cond3A = arith.constant 0 : i32
      %cond3A_571 = arith.cmpi ne, %convert_element_type3A, %cond3A : i32
      scf.if %cond3A_571 {
        %dma_wait3A_885 = arith.constant 0 : i32
        %dma_wait3A_886 = arith.constant 0 : i32
        %dma_wait3A_887 = tpu.memref_slice %arg9[%rem3A_361, %dma_wait3A_885, %dma_wait3A_886] : memref<3x8x128xi32, #tpu.memory_space<vmem>> -> memref<1x1x128xi32, #tpu.memory_space<vmem>>
        %dma_wait3A_888 = tpu.memref_squeeze %dma_wait3A_887 : memref<1x1x128xi32, #tpu.memory_space<vmem>> -> memref<128xi32, #tpu.memory_space<vmem>>
        %dma_wait3A_889 = arith.constant 0 : i32
        %dma_wait3A_890 = tpu.memref_slice %arg8[%dma_wait3A_889] : memref<10240xf32, #tpu.memory_space<vmem_shared>> -> memref<10240xf32, #tpu.memory_space<vmem_shared>>
        tpu.wait_indirect_dma semaphore(%arg16 : memref<!tpu.dma_semaphore, #tpu.memory_space<semaphore_mem>>) src(%arg12 : memref<128xf32, #tpu.memory_space<vmem>>) dst(%dma_wait3A_890 : memref<10240xf32, #tpu.memory_space<vmem_shared>>)
        %dma_wait3A_891 = arith.constant 0 : i32
        %dma_wait3A_892 = arith.constant 0 : i32
        %dma_wait3A_893 = tpu.memref_slice %arg9[%rem3A_361, %dma_wait3A_891, %dma_wait3A_892] : memref<3x8x128xi32, #tpu.memory_space<vmem>> -> memref<1x1x128xi32, #tpu.memory_space<vmem>>
        %dma_wait3A_894 = tpu.memref_squeeze %dma_wait3A_893 : memref<1x1x128xi32, #tpu.memory_space<vmem>> -> memref<128xi32, #tpu.memory_space<vmem>>
        %dma_wait3A_895 = arith.constant 0 : i32
        %dma_wait3A_896 = tpu.memref_slice %arg8[%dma_wait3A_895] : memref<10240xf32, #tpu.memory_space<vmem_shared>> -> memref<10240xf32, #tpu.memory_space<vmem_shared>>
        tpu.wait_indirect_dma semaphore(%arg16 : memref<!tpu.dma_semaphore, #tpu.memory_space<semaphore_mem>>) src(%arg12 : memref<128xf32, #tpu.memory_space<vmem>>) dst(%dma_wait3A_896 : memref<10240xf32, #tpu.memory_space<vmem_shared>>)
        %dma_wait3A_897 = arith.constant 0 : i32
        %dma_wait3A_898 = arith.constant 0 : i32
        %dma_wait3A_899 = tpu.memref_slice %arg9[%rem3A_361, %dma_wait3A_897, %dma_wait3A_898] : memref<3x8x128xi32, #tpu.memory_space<vmem>> -> memref<1x1x128xi32, #tpu.memory_space<vmem>>
        %dma_wait3A_900 = tpu.memref_squeeze %dma_wait3A_899 : memref<1x1x128xi32, #tpu.memory_space<vmem>> -> memref<128xi32, #tpu.memory_space<vmem>>
        %dma_wait3A_901 = arith.constant 0 : i32
        %dma_wait3A_902 = tpu.memref_slice %arg8[%dma_wait3A_901] : memref<10240xf32, #tpu.memory_space<vmem_shared>> -> memref<10240xf32, #tpu.memory_space<vmem_shared>>
        tpu.wait_indirect_dma semaphore(%arg16 : memref<!tpu.dma_semaphore, #tpu.memory_space<semaphore_mem>>) src(%arg12 : memref<128xf32, #tpu.memory_space<vmem>>) dst(%dma_wait3A_902 : memref<10240xf32, #tpu.memory_space<vmem_shared>>)
        %dma_wait3A_903 = arith.constant 0 : i32
        %dma_wait3A_904 = arith.constant 0 : i32
        %dma_wait3A_905 = tpu.memref_slice %arg9[%rem3A_361, %dma_wait3A_903, %dma_wait3A_904] : memref<3x8x128xi32, #tpu.memory_space<vmem>> -> memref<1x1x128xi32, #tpu.memory_space<vmem>>
        %dma_wait3A_906 = tpu.memref_squeeze %dma_wait3A_905 : memref<1x1x128xi32, #tpu.memory_space<vmem>> -> memref<128xi32, #tpu.memory_space<vmem>>
        %dma_wait3A_907 = arith.constant 0 : i32
        %dma_wait3A_908 = tpu.memref_slice %arg8[%dma_wait3A_907] : memref<10240xf32, #tpu.memory_space<vmem_shared>> -> memref<10240xf32, #tpu.memory_space<vmem_shared>>
        tpu.wait_indirect_dma semaphore(%arg16 : memref<!tpu.dma_semaphore, #tpu.memory_space<semaphore_mem>>) src(%arg12 : memref<128xf32, #tpu.memory_space<vmem>>) dst(%dma_wait3A_908 : memref<10240xf32, #tpu.memory_space<vmem_shared>>)
        %dma_wait3A_909 = arith.constant 0 : i32
        %dma_wait3A_910 = arith.constant 0 : i32
        %dma_wait3A_911 = tpu.memref_slice %arg9[%rem3A_361, %dma_wait3A_909, %dma_wait3A_910] : memref<3x8x128xi32, #tpu.memory_space<vmem>> -> memref<1x1x128xi32, #tpu.memory_space<vmem>>
        %dma_wait3A_912 = tpu.memref_squeeze %dma_wait3A_911 : memref<1x1x128xi32, #tpu.memory_space<vmem>> -> memref<128xi32, #tpu.memory_space<vmem>>
        %dma_wait3A_913 = arith.constant 0 : i32
        %dma_wait3A_914 = tpu.memref_slice %arg8[%dma_wait3A_913] : memref<10240xf32, #tpu.memory_space<vmem_shared>> -> memref<10240xf32, #tpu.memory_space<vmem_shared>>
        tpu.wait_indirect_dma semaphore(%arg16 : memref<!tpu.dma_semaphore, #tpu.memory_space<semaphore_mem>>) src(%arg12 : memref<128xf32, #tpu.memory_space<vmem>>) dst(%dma_wait3A_914 : memref<10240xf32, #tpu.memory_space<vmem_shared>>)
        %dma_wait3A_915 = arith.constant 0 : i32
        %dma_wait3A_916 = arith.constant 0 : i32
        %dma_wait3A_917 = tpu.memref_slice %arg9[%rem3A_361, %dma_wait3A_915, %dma_wait3A_916] : memref<3x8x128xi32, #tpu.memory_space<vmem>> -> memref<1x1x128xi32, #tpu.memory_space<vmem>>
        %dma_wait3A_918 = tpu.memref_squeeze %dma_wait3A_917 : memref<1x1x128xi32, #tpu.memory_space<vmem>> -> memref<128xi32, #tpu.memory_space<vmem>>
        %dma_wait3A_919 = arith.constant 0 : i32
        %dma_wait3A_920 = tpu.memref_slice %arg8[%dma_wait3A_919] : memref<10240xf32, #tpu.memory_space<vmem_shared>> -> memref<10240xf32, #tpu.memory_space<vmem_shared>>
        tpu.wait_indirect_dma semaphore(%arg16 : memref<!tpu.dma_semaphore, #tpu.memory_space<semaphore_mem>>) src(%arg12 : memref<128xf32, #tpu.memory_space<vmem>>) dst(%dma_wait3A_920 : memref<10240xf32, #tpu.memory_space<vmem_shared>>)
        %dma_wait3A_921 = arith.constant 0 : i32
        %dma_wait3A_922 = arith.constant 0 : i32
        %dma_wait3A_923 = tpu.memref_slice %arg9[%rem3A_361, %dma_wait3A_921, %dma_wait3A_922] : memref<3x8x128xi32, #tpu.memory_space<vmem>> -> memref<1x1x128xi32, #tpu.memory_space<vmem>>
        %dma_wait3A_924 = tpu.memref_squeeze %dma_wait3A_923 : memref<1x1x128xi32, #tpu.memory_space<vmem>> -> memref<128xi32, #tpu.memory_space<vmem>>
        %dma_wait3A_925 = arith.constant 0 : i32
        %dma_wait3A_926 = tpu.memref_slice %arg8[%dma_wait3A_925] : memref<10240xf32, #tpu.memory_space<vmem_shared>> -> memref<10240xf32, #tpu.memory_space<vmem_shared>>
        tpu.wait_indirect_dma semaphore(%arg16 : memref<!tpu.dma_semaphore, #tpu.memory_space<semaphore_mem>>) src(%arg12 : memref<128xf32, #tpu.memory_space<vmem>>) dst(%dma_wait3A_926 : memref<10240xf32, #tpu.memory_space<vmem_shared>>)
        %dma_wait3A_927 = arith.constant 0 : i32
        %dma_wait3A_928 = arith.constant 0 : i32
        %dma_wait3A_929 = tpu.memref_slice %arg9[%rem3A_361, %dma_wait3A_927, %dma_wait3A_928] : memref<3x8x128xi32, #tpu.memory_space<vmem>> -> memref<1x1x128xi32, #tpu.memory_space<vmem>>
        %dma_wait3A_930 = tpu.memref_squeeze %dma_wait3A_929 : memref<1x1x128xi32, #tpu.memory_space<vmem>> -> memref<128xi32, #tpu.memory_space<vmem>>
        %dma_wait3A_931 = arith.constant 0 : i32
        %dma_wait3A_932 = tpu.memref_slice %arg8[%dma_wait3A_931] : memref<10240xf32, #tpu.memory_space<vmem_shared>> -> memref<10240xf32, #tpu.memory_space<vmem_shared>>
        tpu.wait_indirect_dma semaphore(%arg16 : memref<!tpu.dma_semaphore, #tpu.memory_space<semaphore_mem>>) src(%arg12 : memref<128xf32, #tpu.memory_space<vmem>>) dst(%dma_wait3A_932 : memref<10240xf32, #tpu.memory_space<vmem_shared>>)
      } else {
      }
      %lt3A = arith.constant 8 : i32
      %lt3A_572 = arith.cmpi slt, %scan3A_359, %lt3A : i32
      %convert_element_type3A_573 = arith.extui %lt3A_572 : i1 to i32
      %cond3A_574 = arith.constant 0 : i32
      %cond3A_575 = arith.cmpi ne, %convert_element_type3A_573, %cond3A_574 : i32
      scf.if %cond3A_575 {
        %add3A_885 = arith.constant 2 : i32
        %add3A_886 = arith.addi %scan3A_359, %add3A_885 : i32
        %rem3A_887 = arith.constant 3 : i32
        %rem3A_888 = arith.remsi %add3A_886, %rem3A_887 : i32
        %mul3A_889 = arith.constant 8 : i32
        %mul3A_890 = arith.muli %add3A_886, %mul3A_889 : i32
        %add3A_891 = arith.addi %mul3A_2, %mul3A_890 : i32
        %multiple_of3A_892 = tpu.assume_multiple %add3A_891, 8 : i32
        %rem3A_893 = arith.constant 3 : i32
        %rem3A_894 = arith.remsi %add3A_886, %rem3A_893 : i32
        %dma_start3A_895 = arith.constant 0 : i32
        %dma_start3A_896 = arith.constant 0 : i32
        %dma_start3A_897 = tpu.memref_slice %arg9[%rem3A_888, %dma_start3A_895, %dma_start3A_896] : memref<3x8x128xi32, #tpu.memory_space<vmem>> -> memref<1x8x128xi32, #tpu.memory_space<vmem>>
        %dma_start3A_898 = tpu.memref_squeeze %dma_start3A_897 : memref<1x8x128xi32, #tpu.memory_space<vmem>> -> memref<8x128xi32, #tpu.memory_space<vmem>>
        %dma_start3A_899 = arith.constant 0 : i32
        %dma_start3A_900 = tpu.memref_slice %arg3[%multiple_of3A_892, %dma_start3A_899] : memref<2560x128xi32, #tpu.memory_space<hbm>> -> memref<8x128xi32, #tpu.memory_space<hbm>>
        %dma_start3A_901 = tpu.memref_slice %arg17[%rem3A_894] : memref<3x!tpu.dma_semaphore, #tpu.memory_space<semaphore_mem>> -> memref<1x!tpu.dma_semaphore, #tpu.memory_space<semaphore_mem>>
        %dma_start3A_902 = tpu.memref_squeeze %dma_start3A_901 : memref<1x!tpu.dma_semaphore, #tpu.memory_space<semaphore_mem>> -> memref<!tpu.dma_semaphore, #tpu.memory_space<semaphore_mem>>
        %dma_start3A_903 = arith.constant 0 : i32
        %dma_start3A_904 = arith.constant 0 : i32
        %dma_start3A_905 = tpu.memref_slice %arg9[%rem3A_888, %dma_start3A_903, %dma_start3A_904] : memref<3x8x128xi32, #tpu.memory_space<vmem>> -> memref<1x8x128xi32, #tpu.memory_space<vmem>>
        %dma_start3A_906 = tpu.memref_squeeze %dma_start3A_905 : memref<1x8x128xi32, #tpu.memory_space<vmem>> -> memref<8x128xi32, #tpu.memory_space<vmem>>
        %dma_start3A_907 = arith.constant 0 : i32
        %dma_start3A_908 = tpu.memref_slice %arg3[%multiple_of3A_892, %dma_start3A_907] : memref<2560x128xi32, #tpu.memory_space<hbm>> -> memref<8x128xi32, #tpu.memory_space<hbm>>
        tpu.enqueue_dma source(%dma_start3A_908 : memref<8x128xi32, #tpu.memory_space<hbm>>) target(%dma_start3A_906 : memref<8x128xi32, #tpu.memory_space<vmem>>) target_semaphore(%dma_start3A_902 : memref<!tpu.dma_semaphore, #tpu.memory_space<semaphore_mem>>)
        %dma_start3A_909 = arith.constant 0 : i32
        %dma_start3A_910 = arith.constant 0 : i32
        %dma_start3A_911 = tpu.memref_slice %arg10[%rem3A_888, %dma_start3A_909, %dma_start3A_910] : memref<3x8x128xi32, #tpu.memory_space<vmem>> -> memref<1x8x128xi32, #tpu.memory_space<vmem>>
        %dma_start3A_912 = tpu.memref_squeeze %dma_start3A_911 : memref<1x8x128xi32, #tpu.memory_space<vmem>> -> memref<8x128xi32, #tpu.memory_space<vmem>>
        %dma_start3A_913 = arith.constant 0 : i32
        %dma_start3A_914 = tpu.memref_slice %arg4[%multiple_of3A_892, %dma_start3A_913] : memref<2560x128xi32, #tpu.memory_space<hbm>> -> memref<8x128xi32, #tpu.memory_space<hbm>>
        %dma_start3A_915 = tpu.memref_slice %arg17[%rem3A_894] : memref<3x!tpu.dma_semaphore, #tpu.memory_space<semaphore_mem>> -> memref<1x!tpu.dma_semaphore, #tpu.memory_space<semaphore_mem>>
        %dma_start3A_916 = tpu.memref_squeeze %dma_start3A_915 : memref<1x!tpu.dma_semaphore, #tpu.memory_space<semaphore_mem>> -> memref<!tpu.dma_semaphore, #tpu.memory_space<semaphore_mem>>
        %dma_start3A_917 = arith.constant 0 : i32
        %dma_start3A_918 = arith.constant 0 : i32
        %dma_start3A_919 = tpu.memref_slice %arg10[%rem3A_888, %dma_start3A_917, %dma_start3A_918] : memref<3x8x128xi32, #tpu.memory_space<vmem>> -> memref<1x8x128xi32, #tpu.memory_space<vmem>>
        %dma_start3A_920 = tpu.memref_squeeze %dma_start3A_919 : memref<1x8x128xi32, #tpu.memory_space<vmem>> -> memref<8x128xi32, #tpu.memory_space<vmem>>
        %dma_start3A_921 = arith.constant 0 : i32
        %dma_start3A_922 = tpu.memref_slice %arg4[%multiple_of3A_892, %dma_start3A_921] : memref<2560x128xi32, #tpu.memory_space<hbm>> -> memref<8x128xi32, #tpu.memory_space<hbm>>
        tpu.enqueue_dma source(%dma_start3A_922 : memref<8x128xi32, #tpu.memory_space<hbm>>) target(%dma_start3A_920 : memref<8x128xi32, #tpu.memory_space<vmem>>) target_semaphore(%dma_start3A_916 : memref<!tpu.dma_semaphore, #tpu.memory_space<semaphore_mem>>)
      } else {
      }
      %dma_wait3A_576 = arith.constant 0 : i32
      %dma_wait3A_577 = arith.constant 2 : i32
      %dma_wait3A_578 = arith.constant 0 : i32
      %dma_wait3A_579 = arith.constant 0 : i32
      %dma_wait3A_580 = arith.constant 0 : i32
      %dma_wait3A_581 = tpu.memref_slice %arg11[%dma_wait3A_576, %dma_wait3A_579, %dma_wait3A_580] : memref<2x128x128xf32, #tpu.memory_space<vmem>> -> memref<1x128x128xf32, #tpu.memory_space<vmem>>
      %dma_wait3A_582 = tpu.memref_squeeze %dma_wait3A_581 : memref<1x128x128xf32, #tpu.memory_space<vmem>> -> memref<128x128xf32, #tpu.memory_space<vmem>>
      %dma_wait3A_583 = arith.constant 0 : i32
      %dma_wait3A_584 = tpu.memref_slice %arg9[%rem3A_361, %dma_wait3A_577, %dma_wait3A_583] : memref<3x8x128xi32, #tpu.memory_space<vmem>> -> memref<1x1x128xi32, #tpu.memory_space<vmem>>
      %dma_wait3A_585 = tpu.memref_squeeze %dma_wait3A_584 : memref<1x1x128xi32, #tpu.memory_space<vmem>> -> memref<128xi32, #tpu.memory_space<vmem>>
      %dma_wait3A_586 = arith.constant 0 : i32
      %dma_wait3A_587 = arith.constant 0 : i32
      %dma_wait3A_588 = tpu.memref_slice %arg7[%dma_wait3A_586, %dma_wait3A_587] : memref<10240x128xf32, #tpu.memory_space<vmem_shared>> -> memref<10240x128xf32, #tpu.memory_space<vmem_shared>>
      %dma_wait3A_589 = tpu.memref_slice %arg15[%dma_wait3A_578] : memref<2x!tpu.dma_semaphore, #tpu.memory_space<semaphore_mem>> -> memref<1x!tpu.dma_semaphore, #tpu.memory_space<semaphore_mem>>
      %dma_wait3A_590 = tpu.memref_squeeze %dma_wait3A_589 : memref<1x!tpu.dma_semaphore, #tpu.memory_space<semaphore_mem>> -> memref<!tpu.dma_semaphore, #tpu.memory_space<semaphore_mem>>
      tpu.wait_indirect_dma semaphore(%dma_wait3A_590 : memref<!tpu.dma_semaphore, #tpu.memory_space<semaphore_mem>>) src(%dma_wait3A_582 : memref<128x128xf32, #tpu.memory_space<vmem>>) dst(%dma_wait3A_588 : memref<10240x128xf32, #tpu.memory_space<vmem_shared>>)
      %dma_start3A_591 = arith.constant 4 : i32
      %dma_start3A_592 = arith.constant 0 : i32
      %dma_start3A_593 = arith.constant 0 : i32
      %dma_start3A_594 = arith.constant 0 : i32
      %dma_start3A_595 = arith.constant 0 : i32
      %dma_start3A_596 = tpu.memref_slice %arg11[%dma_start3A_592, %dma_start3A_594, %dma_start3A_595] : memref<2x128x128xf32, #tpu.memory_space<vmem>> -> memref<1x128x128xf32, #tpu.memory_space<vmem>>
      %dma_start3A_597 = tpu.memref_squeeze %dma_start3A_596 : memref<1x128x128xf32, #tpu.memory_space<vmem>> -> memref<128x128xf32, #tpu.memory_space<vmem>>
      %dma_start3A_598 = arith.constant 0 : i32
      %dma_start3A_599 = tpu.memref_slice %arg10[%rem3A_361, %dma_start3A_591, %dma_start3A_598] : memref<3x8x128xi32, #tpu.memory_space<vmem>> -> memref<1x1x128xi32, #tpu.memory_space<vmem>>
      %dma_start3A_600 = tpu.memref_squeeze %dma_start3A_599 : memref<1x1x128xi32, #tpu.memory_space<vmem>> -> memref<128xi32, #tpu.memory_space<vmem>>
      %dma_start3A_601 = arith.constant 0 : i32
      %dma_start3A_602 = arith.constant 0 : i32
      %dma_start3A_603 = tpu.memref_slice %arg2[%dma_start3A_601, %dma_start3A_602] : memref<10000x128xf32, #tpu.memory_space<hbm>> -> memref<10000x128xf32, #tpu.memory_space<hbm>>
      %dma_start3A_604 = tpu.memref_slice %arg14[%dma_start3A_593] : memref<2x!tpu.dma_semaphore, #tpu.memory_space<semaphore_mem>> -> memref<1x!tpu.dma_semaphore, #tpu.memory_space<semaphore_mem>>
      %dma_start3A_605 = tpu.memref_squeeze %dma_start3A_604 : memref<1x!tpu.dma_semaphore, #tpu.memory_space<semaphore_mem>> -> memref<!tpu.dma_semaphore, #tpu.memory_space<semaphore_mem>>
      tpu.enqueue_indirect_dma source(%dma_start3A_603 : memref<10000x128xf32, #tpu.memory_space<hbm>>) target(%dma_start3A_597 : memref<128x128xf32, #tpu.memory_space<vmem>>) offsets(%dma_start3A_600 : memref<128xi32, #tpu.memory_space<vmem>>) semaphore(%dma_start3A_605 : memref<!tpu.dma_semaphore, #tpu.memory_space<semaphore_mem>>)
      %dma_wait3A_606 = arith.constant 1 : i32
      %dma_wait3A_607 = arith.constant 3 : i32
      %dma_wait3A_608 = arith.constant 1 : i32
      %dma_wait3A_609 = arith.constant 0 : i32
      %dma_wait3A_610 = arith.constant 0 : i32
      %dma_wait3A_611 = tpu.memref_slice %arg11[%dma_wait3A_606, %dma_wait3A_609, %dma_wait3A_610] : memref<2x128x128xf32, #tpu.memory_space<vmem>> -> memref<1x128x128xf32, #tpu.memory_space<vmem>>
      %dma_wait3A_612 = tpu.memref_squeeze %dma_wait3A_611 : memref<1x128x128xf32, #tpu.memory_space<vmem>> -> memref<128x128xf32, #tpu.memory_space<vmem>>
      %dma_wait3A_613 = arith.constant 0 : i32
      %dma_wait3A_614 = tpu.memref_slice %arg9[%rem3A_361, %dma_wait3A_607, %dma_wait3A_613] : memref<3x8x128xi32, #tpu.memory_space<vmem>> -> memref<1x1x128xi32, #tpu.memory_space<vmem>>
      %dma_wait3A_615 = tpu.memref_squeeze %dma_wait3A_614 : memref<1x1x128xi32, #tpu.memory_space<vmem>> -> memref<128xi32, #tpu.memory_space<vmem>>
      %dma_wait3A_616 = arith.constant 0 : i32
      %dma_wait3A_617 = arith.constant 0 : i32
      %dma_wait3A_618 = tpu.memref_slice %arg7[%dma_wait3A_616, %dma_wait3A_617] : memref<10240x128xf32, #tpu.memory_space<vmem_shared>> -> memref<10240x128xf32, #tpu.memory_space<vmem_shared>>
      %dma_wait3A_619 = tpu.memref_slice %arg15[%dma_wait3A_608] : memref<2x!tpu.dma_semaphore, #tpu.memory_space<semaphore_mem>> -> memref<1x!tpu.dma_semaphore, #tpu.memory_space<semaphore_mem>>
      %dma_wait3A_620 = tpu.memref_squeeze %dma_wait3A_619 : memref<1x!tpu.dma_semaphore, #tpu.memory_space<semaphore_mem>> -> memref<!tpu.dma_semaphore, #tpu.memory_space<semaphore_mem>>
      tpu.wait_indirect_dma semaphore(%dma_wait3A_620 : memref<!tpu.dma_semaphore, #tpu.memory_space<semaphore_mem>>) src(%dma_wait3A_612 : memref<128x128xf32, #tpu.memory_space<vmem>>) dst(%dma_wait3A_618 : memref<10240x128xf32, #tpu.memory_space<vmem_shared>>)
      %dma_start3A_621 = arith.constant 5 : i32
      %dma_start3A_622 = arith.constant 1 : i32
      %dma_start3A_623 = arith.constant 1 : i32
      %dma_start3A_624 = arith.constant 0 : i32
      %dma_start3A_625 = arith.constant 0 : i32
      %dma_start3A_626 = tpu.memref_slice %arg11[%dma_start3A_622, %dma_start3A_624, %dma_start3A_625] : memref<2x128x128xf32, #tpu.memory_space<vmem>> -> memref<1x128x128xf32, #tpu.memory_space<vmem>>
      %dma_start3A_627 = tpu.memref_squeeze %dma_start3A_626 : memref<1x128x128xf32, #tpu.memory_space<vmem>> -> memref<128x128xf32, #tpu.memory_space<vmem>>
      %dma_start3A_628 = arith.constant 0 : i32
      %dma_start3A_629 = tpu.memref_slice %arg10[%rem3A_361, %dma_start3A_621, %dma_start3A_628] : memref<3x8x128xi32, #tpu.memory_space<vmem>> -> memref<1x1x128xi32, #tpu.memory_space<vmem>>
      %dma_start3A_630 = tpu.memref_squeeze %dma_start3A_629 : memref<1x1x128xi32, #tpu.memory_space<vmem>> -> memref<128xi32, #tpu.memory_space<vmem>>
      %dma_start3A_631 = arith.constant 0 : i32
      %dma_start3A_632 = arith.constant 0 : i32
      %dma_start3A_633 = tpu.memref_slice %arg2[%dma_start3A_631, %dma_start3A_632] : memref<10000x128xf32, #tpu.memory_space<hbm>> -> memref<10000x128xf32, #tpu.memory_space<hbm>>
      %dma_start3A_634 = tpu.memref_slice %arg14[%dma_start3A_623] : memref<2x!tpu.dma_semaphore, #tpu.memory_space<semaphore_mem>> -> memref<1x!tpu.dma_semaphore, #tpu.memory_space<semaphore_mem>>
      %dma_start3A_635 = tpu.memref_squeeze %dma_start3A_634 : memref<1x!tpu.dma_semaphore, #tpu.memory_space<semaphore_mem>> -> memref<!tpu.dma_semaphore, #tpu.memory_space<semaphore_mem>>
      tpu.enqueue_indirect_dma source(%dma_start3A_633 : memref<10000x128xf32, #tpu.memory_space<hbm>>) target(%dma_start3A_627 : memref<128x128xf32, #tpu.memory_space<vmem>>) offsets(%dma_start3A_630 : memref<128xi32, #tpu.memory_space<vmem>>) semaphore(%dma_start3A_635 : memref<!tpu.dma_semaphore, #tpu.memory_space<semaphore_mem>>)
      %dma_wait3A_636 = arith.constant 4 : i32
      %dma_wait3A_637 = arith.constant 0 : i32
      %dma_wait3A_638 = arith.constant 0 : i32
      %dma_wait3A_639 = arith.constant 0 : i32
      %dma_wait3A_640 = arith.constant 0 : i32
      %dma_wait3A_641 = tpu.memref_slice %arg11[%dma_wait3A_637, %dma_wait3A_639, %dma_wait3A_640] : memref<2x128x128xf32, #tpu.memory_space<vmem>> -> memref<1x128x128xf32, #tpu.memory_space<vmem>>
      %dma_wait3A_642 = tpu.memref_squeeze %dma_wait3A_641 : memref<1x128x128xf32, #tpu.memory_space<vmem>> -> memref<128x128xf32, #tpu.memory_space<vmem>>
      %dma_wait3A_643 = arith.constant 0 : i32
      %dma_wait3A_644 = tpu.memref_slice %arg10[%rem3A_361, %dma_wait3A_636, %dma_wait3A_643] : memref<3x8x128xi32, #tpu.memory_space<vmem>> -> memref<1x1x128xi32, #tpu.memory_space<vmem>>
      %dma_wait3A_645 = tpu.memref_squeeze %dma_wait3A_644 : memref<1x1x128xi32, #tpu.memory_space<vmem>> -> memref<128xi32, #tpu.memory_space<vmem>>
      %dma_wait3A_646 = arith.constant 0 : i32
      %dma_wait3A_647 = arith.constant 0 : i32
      %dma_wait3A_648 = tpu.memref_slice %arg2[%dma_wait3A_646, %dma_wait3A_647] : memref<10000x128xf32, #tpu.memory_space<hbm>> -> memref<10000x128xf32, #tpu.memory_space<hbm>>
      %dma_wait3A_649 = tpu.memref_slice %arg14[%dma_wait3A_638] : memref<2x!tpu.dma_semaphore, #tpu.memory_space<semaphore_mem>> -> memref<1x!tpu.dma_semaphore, #tpu.memory_space<semaphore_mem>>
      %dma_wait3A_650 = tpu.memref_squeeze %dma_wait3A_649 : memref<1x!tpu.dma_semaphore, #tpu.memory_space<semaphore_mem>> -> memref<!tpu.dma_semaphore, #tpu.memory_space<semaphore_mem>>
      tpu.wait_indirect_dma semaphore(%dma_wait3A_650 : memref<!tpu.dma_semaphore, #tpu.memory_space<semaphore_mem>>) src(%dma_wait3A_648 : memref<10000x128xf32, #tpu.memory_space<hbm>>) dst(%dma_wait3A_642 : memref<128x128xf32, #tpu.memory_space<vmem>>)
      %dma_start3A_651 = arith.constant 0 : i32
      %dma_start3A_652 = arith.constant 4 : i32
      %dma_start3A_653 = arith.constant 0 : i32
      %dma_start3A_654 = arith.constant 0 : i32
      %dma_start3A_655 = arith.constant 0 : i32
      %dma_start3A_656 = tpu.memref_slice %arg11[%dma_start3A_651, %dma_start3A_654, %dma_start3A_655] : memref<2x128x128xf32, #tpu.memory_space<vmem>> -> memref<1x128x128xf32, #tpu.memory_space<vmem>>
      %dma_start3A_657 = tpu.memref_squeeze %dma_start3A_656 : memref<1x128x128xf32, #tpu.memory_space<vmem>> -> memref<128x128xf32, #tpu.memory_space<vmem>>
      %dma_start3A_658 = arith.constant 0 : i32
      %dma_start3A_659 = tpu.memref_slice %arg9[%rem3A_361, %dma_start3A_652, %dma_start3A_658] : memref<3x8x128xi32, #tpu.memory_space<vmem>> -> memref<1x1x128xi32, #tpu.memory_space<vmem>>
      %dma_start3A_660 = tpu.memref_squeeze %dma_start3A_659 : memref<1x1x128xi32, #tpu.memory_space<vmem>> -> memref<128xi32, #tpu.memory_space<vmem>>
      %dma_start3A_661 = arith.constant 0 : i32
      %dma_start3A_662 = arith.constant 0 : i32
      %dma_start3A_663 = tpu.memref_slice %arg7[%dma_start3A_661, %dma_start3A_662] : memref<10240x128xf32, #tpu.memory_space<vmem_shared>> -> memref<10240x128xf32, #tpu.memory_space<vmem_shared>>
      %dma_start3A_664 = tpu.memref_slice %arg15[%dma_start3A_653] : memref<2x!tpu.dma_semaphore, #tpu.memory_space<semaphore_mem>> -> memref<1x!tpu.dma_semaphore, #tpu.memory_space<semaphore_mem>>
      %dma_start3A_665 = tpu.memref_squeeze %dma_start3A_664 : memref<1x!tpu.dma_semaphore, #tpu.memory_space<semaphore_mem>> -> memref<!tpu.dma_semaphore, #tpu.memory_space<semaphore_mem>>
      tpu.enqueue_indirect_dma source(%dma_start3A_657 : memref<128x128xf32, #tpu.memory_space<vmem>>) target(%dma_start3A_663 : memref<10240x128xf32, #tpu.memory_space<vmem_shared>>) offsets(%dma_start3A_660 : memref<128xi32, #tpu.memory_space<vmem>>) semaphore(%dma_start3A_665 : memref<!tpu.dma_semaphore, #tpu.memory_space<semaphore_mem>>) {add = true}
      %dma_start3A_666 = arith.constant 4 : i32
      %dma_start3A_667 = arith.constant 0 : i32
      %dma_start3A_668 = tpu.memref_slice %arg9[%rem3A_361, %dma_start3A_666, %dma_start3A_667] : memref<3x8x128xi32, #tpu.memory_space<vmem>> -> memref<1x1x128xi32, #tpu.memory_space<vmem>>
      %dma_start3A_669 = tpu.memref_squeeze %dma_start3A_668 : memref<1x1x128xi32, #tpu.memory_space<vmem>> -> memref<128xi32, #tpu.memory_space<vmem>>
      %dma_start3A_670 = arith.constant 0 : i32
      %dma_start3A_671 = tpu.memref_slice %arg8[%dma_start3A_670] : memref<10240xf32, #tpu.memory_space<vmem_shared>> -> memref<10240xf32, #tpu.memory_space<vmem_shared>>
      tpu.enqueue_indirect_dma source(%arg12 : memref<128xf32, #tpu.memory_space<vmem>>) target(%dma_start3A_671 : memref<10240xf32, #tpu.memory_space<vmem_shared>>) offsets(%dma_start3A_669 : memref<128xi32, #tpu.memory_space<vmem>>) semaphore(%arg16 : memref<!tpu.dma_semaphore, #tpu.memory_space<semaphore_mem>>) {add = true}
      %dma_wait3A_672 = arith.constant 5 : i32
      %dma_wait3A_673 = arith.constant 1 : i32
      %dma_wait3A_674 = arith.constant 1 : i32
      %dma_wait3A_675 = arith.constant 0 : i32
      %dma_wait3A_676 = arith.constant 0 : i32
      %dma_wait3A_677 = tpu.memref_slice %arg11[%dma_wait3A_673, %dma_wait3A_675, %dma_wait3A_676] : memref<2x128x128xf32, #tpu.memory_space<vmem>> -> memref<1x128x128xf32, #tpu.memory_space<vmem>>
      %dma_wait3A_678 = tpu.memref_squeeze %dma_wait3A_677 : memref<1x128x128xf32, #tpu.memory_space<vmem>> -> memref<128x128xf32, #tpu.memory_space<vmem>>
      %dma_wait3A_679 = arith.constant 0 : i32
      %dma_wait3A_680 = tpu.memref_slice %arg10[%rem3A_361, %dma_wait3A_672, %dma_wait3A_679] : memref<3x8x128xi32, #tpu.memory_space<vmem>> -> memref<1x1x128xi32, #tpu.memory_space<vmem>>
      %dma_wait3A_681 = tpu.memref_squeeze %dma_wait3A_680 : memref<1x1x128xi32, #tpu.memory_space<vmem>> -> memref<128xi32, #tpu.memory_space<vmem>>
      %dma_wait3A_682 = arith.constant 0 : i32
      %dma_wait3A_683 = arith.constant 0 : i32
      %dma_wait3A_684 = tpu.memref_slice %arg2[%dma_wait3A_682, %dma_wait3A_683] : memref<10000x128xf32, #tpu.memory_space<hbm>> -> memref<10000x128xf32, #tpu.memory_space<hbm>>
      %dma_wait3A_685 = tpu.memref_slice %arg14[%dma_wait3A_674] : memref<2x!tpu.dma_semaphore, #tpu.memory_space<semaphore_mem>> -> memref<1x!tpu.dma_semaphore, #tpu.memory_space<semaphore_mem>>
      %dma_wait3A_686 = tpu.memref_squeeze %dma_wait3A_685 : memref<1x!tpu.dma_semaphore, #tpu.memory_space<semaphore_mem>> -> memref<!tpu.dma_semaphore, #tpu.memory_space<semaphore_mem>>
      tpu.wait_indirect_dma semaphore(%dma_wait3A_686 : memref<!tpu.dma_semaphore, #tpu.memory_space<semaphore_mem>>) src(%dma_wait3A_684 : memref<10000x128xf32, #tpu.memory_space<hbm>>) dst(%dma_wait3A_678 : memref<128x128xf32, #tpu.memory_space<vmem>>)
      %dma_start3A_687 = arith.constant 1 : i32
      %dma_start3A_688 = arith.constant 5 : i32
      %dma_start3A_689 = arith.constant 1 : i32
      %dma_start3A_690 = arith.constant 0 : i32
      %dma_start3A_691 = arith.constant 0 : i32
      %dma_start3A_692 = tpu.memref_slice %arg11[%dma_start3A_687, %dma_start3A_690, %dma_start3A_691] : memref<2x128x128xf32, #tpu.memory_space<vmem>> -> memref<1x128x128xf32, #tpu.memory_space<vmem>>
      %dma_start3A_693 = tpu.memref_squeeze %dma_start3A_692 : memref<1x128x128xf32, #tpu.memory_space<vmem>> -> memref<128x128xf32, #tpu.memory_space<vmem>>
      %dma_start3A_694 = arith.constant 0 : i32
      %dma_start3A_695 = tpu.memref_slice %arg9[%rem3A_361, %dma_start3A_688, %dma_start3A_694] : memref<3x8x128xi32, #tpu.memory_space<vmem>> -> memref<1x1x128xi32, #tpu.memory_space<vmem>>
      %dma_start3A_696 = tpu.memref_squeeze %dma_start3A_695 : memref<1x1x128xi32, #tpu.memory_space<vmem>> -> memref<128xi32, #tpu.memory_space<vmem>>
      %dma_start3A_697 = arith.constant 0 : i32
      %dma_start3A_698 = arith.constant 0 : i32
      %dma_start3A_699 = tpu.memref_slice %arg7[%dma_start3A_697, %dma_start3A_698] : memref<10240x128xf32, #tpu.memory_space<vmem_shared>> -> memref<10240x128xf32, #tpu.memory_space<vmem_shared>>
      %dma_start3A_700 = tpu.memref_slice %arg15[%dma_start3A_689] : memref<2x!tpu.dma_semaphore, #tpu.memory_space<semaphore_mem>> -> memref<1x!tpu.dma_semaphore, #tpu.memory_space<semaphore_mem>>
      %dma_start3A_701 = tpu.memref_squeeze %dma_start3A_700 : memref<1x!tpu.dma_semaphore, #tpu.memory_space<semaphore_mem>> -> memref<!tpu.dma_semaphore, #tpu.memory_space<semaphore_mem>>
      tpu.enqueue_indirect_dma source(%dma_start3A_693 : memref<128x128xf32, #tpu.memory_space<vmem>>) target(%dma_start3A_699 : memref<10240x128xf32, #tpu.memory_space<vmem_shared>>) offsets(%dma_start3A_696 : memref<128xi32, #tpu.memory_space<vmem>>) semaphore(%dma_start3A_701 : memref<!tpu.dma_semaphore, #tpu.memory_space<semaphore_mem>>) {add = true}
      %dma_start3A_702 = arith.constant 5 : i32
      %dma_start3A_703 = arith.constant 0 : i32
      %dma_start3A_704 = tpu.memref_slice %arg9[%rem3A_361, %dma_start3A_702, %dma_start3A_703] : memref<3x8x128xi32, #tpu.memory_space<vmem>> -> memref<1x1x128xi32, #tpu.memory_space<vmem>>
      %dma_start3A_705 = tpu.memref_squeeze %dma_start3A_704 : memref<1x1x128xi32, #tpu.memory_space<vmem>> -> memref<128xi32, #tpu.memory_space<vmem>>
      %dma_start3A_706 = arith.constant 0 : i32
      %dma_start3A_707 = tpu.memref_slice %arg8[%dma_start3A_706] : memref<10240xf32, #tpu.memory_space<vmem_shared>> -> memref<10240xf32, #tpu.memory_space<vmem_shared>>
      tpu.enqueue_indirect_dma source(%arg12 : memref<128xf32, #tpu.memory_space<vmem>>) target(%dma_start3A_707 : memref<10240xf32, #tpu.memory_space<vmem_shared>>) offsets(%dma_start3A_705 : memref<128xi32, #tpu.memory_space<vmem>>) semaphore(%arg16 : memref<!tpu.dma_semaphore, #tpu.memory_space<semaphore_mem>>) {add = true}
      %dma_wait3A_708 = arith.constant 0 : i32
      %dma_wait3A_709 = arith.constant 4 : i32
      %dma_wait3A_710 = arith.constant 0 : i32
      %dma_wait3A_711 = arith.constant 0 : i32
      %dma_wait3A_712 = arith.constant 0 : i32
      %dma_wait3A_713 = tpu.memref_slice %arg11[%dma_wait3A_708, %dma_wait3A_711, %dma_wait3A_712] : memref<2x128x128xf32, #tpu.memory_space<vmem>> -> memref<1x128x128xf32, #tpu.memory_space<vmem>>
      %dma_wait3A_714 = tpu.memref_squeeze %dma_wait3A_713 : memref<1x128x128xf32, #tpu.memory_space<vmem>> -> memref<128x128xf32, #tpu.memory_space<vmem>>
      %dma_wait3A_715 = arith.constant 0 : i32
      %dma_wait3A_716 = tpu.memref_slice %arg9[%rem3A_361, %dma_wait3A_709, %dma_wait3A_715] : memref<3x8x128xi32, #tpu.memory_space<vmem>> -> memref<1x1x128xi32, #tpu.memory_space<vmem>>
      %dma_wait3A_717 = tpu.memref_squeeze %dma_wait3A_716 : memref<1x1x128xi32, #tpu.memory_space<vmem>> -> memref<128xi32, #tpu.memory_space<vmem>>
      %dma_wait3A_718 = arith.constant 0 : i32
      %dma_wait3A_719 = arith.constant 0 : i32
      %dma_wait3A_720 = tpu.memref_slice %arg7[%dma_wait3A_718, %dma_wait3A_719] : memref<10240x128xf32, #tpu.memory_space<vmem_shared>> -> memref<10240x128xf32, #tpu.memory_space<vmem_shared>>
      %dma_wait3A_721 = tpu.memref_slice %arg15[%dma_wait3A_710] : memref<2x!tpu.dma_semaphore, #tpu.memory_space<semaphore_mem>> -> memref<1x!tpu.dma_semaphore, #tpu.memory_space<semaphore_mem>>
      %dma_wait3A_722 = tpu.memref_squeeze %dma_wait3A_721 : memref<1x!tpu.dma_semaphore, #tpu.memory_space<semaphore_mem>> -> memref<!tpu.dma_semaphore, #tpu.memory_space<semaphore_mem>>
      tpu.wait_indirect_dma semaphore(%dma_wait3A_722 : memref<!tpu.dma_semaphore, #tpu.memory_space<semaphore_mem>>) src(%dma_wait3A_714 : memref<128x128xf32, #tpu.memory_space<vmem>>) dst(%dma_wait3A_720 : memref<10240x128xf32, #tpu.memory_space<vmem_shared>>)
      %dma_start3A_723 = arith.constant 6 : i32
      %dma_start3A_724 = arith.constant 0 : i32
      %dma_start3A_725 = arith.constant 0 : i32
      %dma_start3A_726 = arith.constant 0 : i32
      %dma_start3A_727 = arith.constant 0 : i32
      %dma_start3A_728 = tpu.memref_slice %arg11[%dma_start3A_724, %dma_start3A_726, %dma_start3A_727] : memref<2x128x128xf32, #tpu.memory_space<vmem>> -> memref<1x128x128xf32, #tpu.memory_space<vmem>>
      %dma_start3A_729 = tpu.memref_squeeze %dma_start3A_728 : memref<1x128x128xf32, #tpu.memory_space<vmem>> -> memref<128x128xf32, #tpu.memory_space<vmem>>
      %dma_start3A_730 = arith.constant 0 : i32
      %dma_start3A_731 = tpu.memref_slice %arg10[%rem3A_361, %dma_start3A_723, %dma_start3A_730] : memref<3x8x128xi32, #tpu.memory_space<vmem>> -> memref<1x1x128xi32, #tpu.memory_space<vmem>>
      %dma_start3A_732 = tpu.memref_squeeze %dma_start3A_731 : memref<1x1x128xi32, #tpu.memory_space<vmem>> -> memref<128xi32, #tpu.memory_space<vmem>>
      %dma_start3A_733 = arith.constant 0 : i32
      %dma_start3A_734 = arith.constant 0 : i32
      %dma_start3A_735 = tpu.memref_slice %arg2[%dma_start3A_733, %dma_start3A_734] : memref<10000x128xf32, #tpu.memory_space<hbm>> -> memref<10000x128xf32, #tpu.memory_space<hbm>>
      %dma_start3A_736 = tpu.memref_slice %arg14[%dma_start3A_725] : memref<2x!tpu.dma_semaphore, #tpu.memory_space<semaphore_mem>> -> memref<1x!tpu.dma_semaphore, #tpu.memory_space<semaphore_mem>>
      %dma_start3A_737 = tpu.memref_squeeze %dma_start3A_736 : memref<1x!tpu.dma_semaphore, #tpu.memory_space<semaphore_mem>> -> memref<!tpu.dma_semaphore, #tpu.memory_space<semaphore_mem>>
      tpu.enqueue_indirect_dma source(%dma_start3A_735 : memref<10000x128xf32, #tpu.memory_space<hbm>>) target(%dma_start3A_729 : memref<128x128xf32, #tpu.memory_space<vmem>>) offsets(%dma_start3A_732 : memref<128xi32, #tpu.memory_space<vmem>>) semaphore(%dma_start3A_737 : memref<!tpu.dma_semaphore, #tpu.memory_space<semaphore_mem>>)
      %dma_wait3A_738 = arith.constant 1 : i32
      %dma_wait3A_739 = arith.constant 5 : i32
      %dma_wait3A_740 = arith.constant 1 : i32
      %dma_wait3A_741 = arith.constant 0 : i32
      %dma_wait3A_742 = arith.constant 0 : i32
      %dma_wait3A_743 = tpu.memref_slice %arg11[%dma_wait3A_738, %dma_wait3A_741, %dma_wait3A_742] : memref<2x128x128xf32, #tpu.memory_space<vmem>> -> memref<1x128x128xf32, #tpu.memory_space<vmem>>
      %dma_wait3A_744 = tpu.memref_squeeze %dma_wait3A_743 : memref<1x128x128xf32, #tpu.memory_space<vmem>> -> memref<128x128xf32, #tpu.memory_space<vmem>>
      %dma_wait3A_745 = arith.constant 0 : i32
      %dma_wait3A_746 = tpu.memref_slice %arg9[%rem3A_361, %dma_wait3A_739, %dma_wait3A_745] : memref<3x8x128xi32, #tpu.memory_space<vmem>> -> memref<1x1x128xi32, #tpu.memory_space<vmem>>
      %dma_wait3A_747 = tpu.memref_squeeze %dma_wait3A_746 : memref<1x1x128xi32, #tpu.memory_space<vmem>> -> memref<128xi32, #tpu.memory_space<vmem>>
      %dma_wait3A_748 = arith.constant 0 : i32
      %dma_wait3A_749 = arith.constant 0 : i32
      %dma_wait3A_750 = tpu.memref_slice %arg7[%dma_wait3A_748, %dma_wait3A_749] : memref<10240x128xf32, #tpu.memory_space<vmem_shared>> -> memref<10240x128xf32, #tpu.memory_space<vmem_shared>>
      %dma_wait3A_751 = tpu.memref_slice %arg15[%dma_wait3A_740] : memref<2x!tpu.dma_semaphore, #tpu.memory_space<semaphore_mem>> -> memref<1x!tpu.dma_semaphore, #tpu.memory_space<semaphore_mem>>
      %dma_wait3A_752 = tpu.memref_squeeze %dma_wait3A_751 : memref<1x!tpu.dma_semaphore, #tpu.memory_space<semaphore_mem>> -> memref<!tpu.dma_semaphore, #tpu.memory_space<semaphore_mem>>
      tpu.wait_indirect_dma semaphore(%dma_wait3A_752 : memref<!tpu.dma_semaphore, #tpu.memory_space<semaphore_mem>>) src(%dma_wait3A_744 : memref<128x128xf32, #tpu.memory_space<vmem>>) dst(%dma_wait3A_750 : memref<10240x128xf32, #tpu.memory_space<vmem_shared>>)
      %dma_start3A_753 = arith.constant 7 : i32
      %dma_start3A_754 = arith.constant 1 : i32
      %dma_start3A_755 = arith.constant 1 : i32
      %dma_start3A_756 = arith.constant 0 : i32
      %dma_start3A_757 = arith.constant 0 : i32
      %dma_start3A_758 = tpu.memref_slice %arg11[%dma_start3A_754, %dma_start3A_756, %dma_start3A_757] : memref<2x128x128xf32, #tpu.memory_space<vmem>> -> memref<1x128x128xf32, #tpu.memory_space<vmem>>
      %dma_start3A_759 = tpu.memref_squeeze %dma_start3A_758 : memref<1x128x128xf32, #tpu.memory_space<vmem>> -> memref<128x128xf32, #tpu.memory_space<vmem>>
      %dma_start3A_760 = arith.constant 0 : i32
      %dma_start3A_761 = tpu.memref_slice %arg10[%rem3A_361, %dma_start3A_753, %dma_start3A_760] : memref<3x8x128xi32, #tpu.memory_space<vmem>> -> memref<1x1x128xi32, #tpu.memory_space<vmem>>
      %dma_start3A_762 = tpu.memref_squeeze %dma_start3A_761 : memref<1x1x128xi32, #tpu.memory_space<vmem>> -> memref<128xi32, #tpu.memory_space<vmem>>
      %dma_start3A_763 = arith.constant 0 : i32
      %dma_start3A_764 = arith.constant 0 : i32
      %dma_start3A_765 = tpu.memref_slice %arg2[%dma_start3A_763, %dma_start3A_764] : memref<10000x128xf32, #tpu.memory_space<hbm>> -> memref<10000x128xf32, #tpu.memory_space<hbm>>
      %dma_start3A_766 = tpu.memref_slice %arg14[%dma_start3A_755] : memref<2x!tpu.dma_semaphore, #tpu.memory_space<semaphore_mem>> -> memref<1x!tpu.dma_semaphore, #tpu.memory_space<semaphore_mem>>
      %dma_start3A_767 = tpu.memref_squeeze %dma_start3A_766 : memref<1x!tpu.dma_semaphore, #tpu.memory_space<semaphore_mem>> -> memref<!tpu.dma_semaphore, #tpu.memory_space<semaphore_mem>>
      tpu.enqueue_indirect_dma source(%dma_start3A_765 : memref<10000x128xf32, #tpu.memory_space<hbm>>) target(%dma_start3A_759 : memref<128x128xf32, #tpu.memory_space<vmem>>) offsets(%dma_start3A_762 : memref<128xi32, #tpu.memory_space<vmem>>) semaphore(%dma_start3A_767 : memref<!tpu.dma_semaphore, #tpu.memory_space<semaphore_mem>>)
      %dma_wait3A_768 = arith.constant 6 : i32
      %dma_wait3A_769 = arith.constant 0 : i32
      %dma_wait3A_770 = arith.constant 0 : i32
      %dma_wait3A_771 = arith.constant 0 : i32
      %dma_wait3A_772 = arith.constant 0 : i32
      %dma_wait3A_773 = tpu.memref_slice %arg11[%dma_wait3A_769, %dma_wait3A_771, %dma_wait3A_772] : memref<2x128x128xf32, #tpu.memory_space<vmem>> -> memref<1x128x128xf32, #tpu.memory_space<vmem>>
      %dma_wait3A_774 = tpu.memref_squeeze %dma_wait3A_773 : memref<1x128x128xf32, #tpu.memory_space<vmem>> -> memref<128x128xf32, #tpu.memory_space<vmem>>
      %dma_wait3A_775 = arith.constant 0 : i32
      %dma_wait3A_776 = tpu.memref_slice %arg10[%rem3A_361, %dma_wait3A_768, %dma_wait3A_775] : memref<3x8x128xi32, #tpu.memory_space<vmem>> -> memref<1x1x128xi32, #tpu.memory_space<vmem>>
      %dma_wait3A_777 = tpu.memref_squeeze %dma_wait3A_776 : memref<1x1x128xi32, #tpu.memory_space<vmem>> -> memref<128xi32, #tpu.memory_space<vmem>>
      %dma_wait3A_778 = arith.constant 0 : i32
      %dma_wait3A_779 = arith.constant 0 : i32
      %dma_wait3A_780 = tpu.memref_slice %arg2[%dma_wait3A_778, %dma_wait3A_779] : memref<10000x128xf32, #tpu.memory_space<hbm>> -> memref<10000x128xf32, #tpu.memory_space<hbm>>
      %dma_wait3A_781 = tpu.memref_slice %arg14[%dma_wait3A_770] : memref<2x!tpu.dma_semaphore, #tpu.memory_space<semaphore_mem>> -> memref<1x!tpu.dma_semaphore, #tpu.memory_space<semaphore_mem>>
      %dma_wait3A_782 = tpu.memref_squeeze %dma_wait3A_781 : memref<1x!tpu.dma_semaphore, #tpu.memory_space<semaphore_mem>> -> memref<!tpu.dma_semaphore, #tpu.memory_space<semaphore_mem>>
      tpu.wait_indirect_dma semaphore(%dma_wait3A_782 : memref<!tpu.dma_semaphore, #tpu.memory_space<semaphore_mem>>) src(%dma_wait3A_780 : memref<10000x128xf32, #tpu.memory_space<hbm>>) dst(%dma_wait3A_774 : memref<128x128xf32, #tpu.memory_space<vmem>>)
      %dma_start3A_783 = arith.constant 0 : i32
      %dma_start3A_784 = arith.constant 6 : i32
      %dma_start3A_785 = arith.constant 0 : i32
      %dma_start3A_786 = arith.constant 0 : i32
      %dma_start3A_787 = arith.constant 0 : i32
      %dma_start3A_788 = tpu.memref_slice %arg11[%dma_start3A_783, %dma_start3A_786, %dma_start3A_787] : memref<2x128x128xf32, #tpu.memory_space<vmem>> -> memref<1x128x128xf32, #tpu.memory_space<vmem>>
      %dma_start3A_789 = tpu.memref_squeeze %dma_start3A_788 : memref<1x128x128xf32, #tpu.memory_space<vmem>> -> memref<128x128xf32, #tpu.memory_space<vmem>>
      %dma_start3A_790 = arith.constant 0 : i32
      %dma_start3A_791 = tpu.memref_slice %arg9[%rem3A_361, %dma_start3A_784, %dma_start3A_790] : memref<3x8x128xi32, #tpu.memory_space<vmem>> -> memref<1x1x128xi32, #tpu.memory_space<vmem>>
      %dma_start3A_792 = tpu.memref_squeeze %dma_start3A_791 : memref<1x1x128xi32, #tpu.memory_space<vmem>> -> memref<128xi32, #tpu.memory_space<vmem>>
      %dma_start3A_793 = arith.constant 0 : i32
      %dma_start3A_794 = arith.constant 0 : i32
      %dma_start3A_795 = tpu.memref_slice %arg7[%dma_start3A_793, %dma_start3A_794] : memref<10240x128xf32, #tpu.memory_space<vmem_shared>> -> memref<10240x128xf32, #tpu.memory_space<vmem_shared>>
      %dma_start3A_796 = tpu.memref_slice %arg15[%dma_start3A_785] : memref<2x!tpu.dma_semaphore, #tpu.memory_space<semaphore_mem>> -> memref<1x!tpu.dma_semaphore, #tpu.memory_space<semaphore_mem>>
      %dma_start3A_797 = tpu.memref_squeeze %dma_start3A_796 : memref<1x!tpu.dma_semaphore, #tpu.memory_space<semaphore_mem>> -> memref<!tpu.dma_semaphore, #tpu.memory_space<semaphore_mem>>
      tpu.enqueue_indirect_dma source(%dma_start3A_789 : memref<128x128xf32, #tpu.memory_space<vmem>>) target(%dma_start3A_795 : memref<10240x128xf32, #tpu.memory_space<vmem_shared>>) offsets(%dma_start3A_792 : memref<128xi32, #tpu.memory_space<vmem>>) semaphore(%dma_start3A_797 : memref<!tpu.dma_semaphore, #tpu.memory_space<semaphore_mem>>) {add = true}
      %dma_start3A_798 = arith.constant 6 : i32
      %dma_start3A_799 = arith.constant 0 : i32
      %dma_start3A_800 = tpu.memref_slice %arg9[%rem3A_361, %dma_start3A_798, %dma_start3A_799] : memref<3x8x128xi32, #tpu.memory_space<vmem>> -> memref<1x1x128xi32, #tpu.memory_space<vmem>>
      %dma_start3A_801 = tpu.memref_squeeze %dma_start3A_800 : memref<1x1x128xi32, #tpu.memory_space<vmem>> -> memref<128xi32, #tpu.memory_space<vmem>>
      %dma_start3A_802 = arith.constant 0 : i32
      %dma_start3A_803 = tpu.memref_slice %arg8[%dma_start3A_802] : memref<10240xf32, #tpu.memory_space<vmem_shared>> -> memref<10240xf32, #tpu.memory_space<vmem_shared>>
      tpu.enqueue_indirect_dma source(%arg12 : memref<128xf32, #tpu.memory_space<vmem>>) target(%dma_start3A_803 : memref<10240xf32, #tpu.memory_space<vmem_shared>>) offsets(%dma_start3A_801 : memref<128xi32, #tpu.memory_space<vmem>>) semaphore(%arg16 : memref<!tpu.dma_semaphore, #tpu.memory_space<semaphore_mem>>) {add = true}
      %dma_wait3A_804 = arith.constant 7 : i32
      %dma_wait3A_805 = arith.constant 1 : i32
      %dma_wait3A_806 = arith.constant 1 : i32
      %dma_wait3A_807 = arith.constant 0 : i32
      %dma_wait3A_808 = arith.constant 0 : i32
      %dma_wait3A_809 = tpu.memref_slice %arg11[%dma_wait3A_805, %dma_wait3A_807, %dma_wait3A_808] : memref<2x128x128xf32, #tpu.memory_space<vmem>> -> memref<1x128x128xf32, #tpu.memory_space<vmem>>
      %dma_wait3A_810 = tpu.memref_squeeze %dma_wait3A_809 : memref<1x128x128xf32, #tpu.memory_space<vmem>> -> memref<128x128xf32, #tpu.memory_space<vmem>>
      %dma_wait3A_811 = arith.constant 0 : i32
      %dma_wait3A_812 = tpu.memref_slice %arg10[%rem3A_361, %dma_wait3A_804, %dma_wait3A_811] : memref<3x8x128xi32, #tpu.memory_space<vmem>> -> memref<1x1x128xi32, #tpu.memory_space<vmem>>
      %dma_wait3A_813 = tpu.memref_squeeze %dma_wait3A_812 : memref<1x1x128xi32, #tpu.memory_space<vmem>> -> memref<128xi32, #tpu.memory_space<vmem>>
      %dma_wait3A_814 = arith.constant 0 : i32
      %dma_wait3A_815 = arith.constant 0 : i32
      %dma_wait3A_816 = tpu.memref_slice %arg2[%dma_wait3A_814, %dma_wait3A_815] : memref<10000x128xf32, #tpu.memory_space<hbm>> -> memref<10000x128xf32, #tpu.memory_space<hbm>>
      %dma_wait3A_817 = tpu.memref_slice %arg14[%dma_wait3A_806] : memref<2x!tpu.dma_semaphore, #tpu.memory_space<semaphore_mem>> -> memref<1x!tpu.dma_semaphore, #tpu.memory_space<semaphore_mem>>
      %dma_wait3A_818 = tpu.memref_squeeze %dma_wait3A_817 : memref<1x!tpu.dma_semaphore, #tpu.memory_space<semaphore_mem>> -> memref<!tpu.dma_semaphore, #tpu.memory_space<semaphore_mem>>
      tpu.wait_indirect_dma semaphore(%dma_wait3A_818 : memref<!tpu.dma_semaphore, #tpu.memory_space<semaphore_mem>>) src(%dma_wait3A_816 : memref<10000x128xf32, #tpu.memory_space<hbm>>) dst(%dma_wait3A_810 : memref<128x128xf32, #tpu.memory_space<vmem>>)
      %dma_start3A_819 = arith.constant 1 : i32
      %dma_start3A_820 = arith.constant 7 : i32
      %dma_start3A_821 = arith.constant 1 : i32
      %dma_start3A_822 = arith.constant 0 : i32
      %dma_start3A_823 = arith.constant 0 : i32
      %dma_start3A_824 = tpu.memref_slice %arg11[%dma_start3A_819, %dma_start3A_822, %dma_start3A_823] : memref<2x128x128xf32, #tpu.memory_space<vmem>> -> memref<1x128x128xf32, #tpu.memory_space<vmem>>
      %dma_start3A_825 = tpu.memref_squeeze %dma_start3A_824 : memref<1x128x128xf32, #tpu.memory_space<vmem>> -> memref<128x128xf32, #tpu.memory_space<vmem>>
      %dma_start3A_826 = arith.constant 0 : i32
      %dma_start3A_827 = tpu.memref_slice %arg9[%rem3A_361, %dma_start3A_820, %dma_start3A_826] : memref<3x8x128xi32, #tpu.memory_space<vmem>> -> memref<1x1x128xi32, #tpu.memory_space<vmem>>
      %dma_start3A_828 = tpu.memref_squeeze %dma_start3A_827 : memref<1x1x128xi32, #tpu.memory_space<vmem>> -> memref<128xi32, #tpu.memory_space<vmem>>
      %dma_start3A_829 = arith.constant 0 : i32
      %dma_start3A_830 = arith.constant 0 : i32
      %dma_start3A_831 = tpu.memref_slice %arg7[%dma_start3A_829, %dma_start3A_830] : memref<10240x128xf32, #tpu.memory_space<vmem_shared>> -> memref<10240x128xf32, #tpu.memory_space<vmem_shared>>
      %dma_start3A_832 = tpu.memref_slice %arg15[%dma_start3A_821] : memref<2x!tpu.dma_semaphore, #tpu.memory_space<semaphore_mem>> -> memref<1x!tpu.dma_semaphore, #tpu.memory_space<semaphore_mem>>
      %dma_start3A_833 = tpu.memref_squeeze %dma_start3A_832 : memref<1x!tpu.dma_semaphore, #tpu.memory_space<semaphore_mem>> -> memref<!tpu.dma_semaphore, #tpu.memory_space<semaphore_mem>>
      tpu.enqueue_indirect_dma source(%dma_start3A_825 : memref<128x128xf32, #tpu.memory_space<vmem>>) target(%dma_start3A_831 : memref<10240x128xf32, #tpu.memory_space<vmem_shared>>) offsets(%dma_start3A_828 : memref<128xi32, #tpu.memory_space<vmem>>) semaphore(%dma_start3A_833 : memref<!tpu.dma_semaphore, #tpu.memory_space<semaphore_mem>>) {add = true}
      %dma_start3A_834 = arith.constant 7 : i32
      %dma_start3A_835 = arith.constant 0 : i32
      %dma_start3A_836 = tpu.memref_slice %arg9[%rem3A_361, %dma_start3A_834, %dma_start3A_835] : memref<3x8x128xi32, #tpu.memory_space<vmem>> -> memref<1x1x128xi32, #tpu.memory_space<vmem>>
      %dma_start3A_837 = tpu.memref_squeeze %dma_start3A_836 : memref<1x1x128xi32, #tpu.memory_space<vmem>> -> memref<128xi32, #tpu.memory_space<vmem>>
      %dma_start3A_838 = arith.constant 0 : i32
      %dma_start3A_839 = tpu.memref_slice %arg8[%dma_start3A_838] : memref<10240xf32, #tpu.memory_space<vmem_shared>> -> memref<10240xf32, #tpu.memory_space<vmem_shared>>
      tpu.enqueue_indirect_dma source(%arg12 : memref<128xf32, #tpu.memory_space<vmem>>) target(%dma_start3A_839 : memref<10240xf32, #tpu.memory_space<vmem_shared>>) offsets(%dma_start3A_837 : memref<128xi32, #tpu.memory_space<vmem>>) semaphore(%arg16 : memref<!tpu.dma_semaphore, #tpu.memory_space<semaphore_mem>>) {add = true}
      %lt3A_840 = arith.constant 9 : i32
      %lt3A_841 = arith.cmpi slt, %scan3A_359, %lt3A_840 : i32
      %convert_element_type3A_842 = arith.extui %lt3A_841 : i1 to i32
      %cond3A_843 = arith.constant 0 : i32
      %cond3A_844 = arith.cmpi ne, %convert_element_type3A_842, %cond3A_843 : i32
      scf.if %cond3A_844 {
        %add3A_885 = arith.constant 1 : i32
        %add3A_886 = arith.addi %scan3A_359, %add3A_885 : i32
        %rem3A_887 = arith.constant 3 : i32
        %rem3A_888 = arith.remsi %add3A_886, %rem3A_887 : i32
        %mul3A_889 = arith.constant 8 : i32
        %mul3A_890 = arith.muli %add3A_886, %mul3A_889 : i32
        %add3A_891 = arith.addi %mul3A_2, %mul3A_890 : i32
        %multiple_of3A_892 = tpu.assume_multiple %add3A_891, 8 : i32
        %rem3A_893 = arith.constant 3 : i32
        %rem3A_894 = arith.remsi %add3A_886, %rem3A_893 : i32
        %dma_wait3A_895 = arith.constant 0 : i32
        %dma_wait3A_896 = arith.constant 0 : i32
        %dma_wait3A_897 = tpu.memref_slice %arg9[%rem3A_888, %dma_wait3A_895, %dma_wait3A_896] : memref<3x8x128xi32, #tpu.memory_space<vmem>> -> memref<1x8x128xi32, #tpu.memory_space<vmem>>
        %dma_wait3A_898 = tpu.memref_squeeze %dma_wait3A_897 : memref<1x8x128xi32, #tpu.memory_space<vmem>> -> memref<8x128xi32, #tpu.memory_space<vmem>>
        %dma_wait3A_899 = arith.constant 0 : i32
        %dma_wait3A_900 = tpu.memref_slice %arg3[%multiple_of3A_892, %dma_wait3A_899] : memref<2560x128xi32, #tpu.memory_space<hbm>> -> memref<8x128xi32, #tpu.memory_space<hbm>>
        %dma_wait3A_901 = tpu.memref_slice %arg17[%rem3A_894] : memref<3x!tpu.dma_semaphore, #tpu.memory_space<semaphore_mem>> -> memref<1x!tpu.dma_semaphore, #tpu.memory_space<semaphore_mem>>
        %dma_wait3A_902 = tpu.memref_squeeze %dma_wait3A_901 : memref<1x!tpu.dma_semaphore, #tpu.memory_space<semaphore_mem>> -> memref<!tpu.dma_semaphore, #tpu.memory_space<semaphore_mem>>
        %dma_wait3A_903 = arith.constant 0 : i32
        %dma_wait3A_904 = arith.constant 0 : i32
        %dma_wait3A_905 = tpu.memref_slice %arg9[%rem3A_888, %dma_wait3A_903, %dma_wait3A_904] : memref<3x8x128xi32, #tpu.memory_space<vmem>> -> memref<1x8x128xi32, #tpu.memory_space<vmem>>
        %dma_wait3A_906 = tpu.memref_squeeze %dma_wait3A_905 : memref<1x8x128xi32, #tpu.memory_space<vmem>> -> memref<8x128xi32, #tpu.memory_space<vmem>>
        %dma_wait3A_907 = arith.constant 0 : i32
        %dma_wait3A_908 = tpu.memref_slice %arg3[%multiple_of3A_892, %dma_wait3A_907] : memref<2560x128xi32, #tpu.memory_space<hbm>> -> memref<8x128xi32, #tpu.memory_space<hbm>>
        tpu.wait_dma2 semaphore(%dma_wait3A_902 : memref<!tpu.dma_semaphore, #tpu.memory_space<semaphore_mem>>) src(%dma_wait3A_908 : memref<8x128xi32, #tpu.memory_space<hbm>>) dst(%dma_wait3A_906 : memref<8x128xi32, #tpu.memory_space<vmem>>)
        %dma_wait3A_909 = arith.constant 0 : i32
        %dma_wait3A_910 = arith.constant 0 : i32
        %dma_wait3A_911 = tpu.memref_slice %arg10[%rem3A_888, %dma_wait3A_909, %dma_wait3A_910] : memref<3x8x128xi32, #tpu.memory_space<vmem>> -> memref<1x8x128xi32, #tpu.memory_space<vmem>>
        %dma_wait3A_912 = tpu.memref_squeeze %dma_wait3A_911 : memref<1x8x128xi32, #tpu.memory_space<vmem>> -> memref<8x128xi32, #tpu.memory_space<vmem>>
        %dma_wait3A_913 = arith.constant 0 : i32
        %dma_wait3A_914 = tpu.memref_slice %arg4[%multiple_of3A_892, %dma_wait3A_913] : memref<2560x128xi32, #tpu.memory_space<hbm>> -> memref<8x128xi32, #tpu.memory_space<hbm>>
        %dma_wait3A_915 = tpu.memref_slice %arg17[%rem3A_894] : memref<3x!tpu.dma_semaphore, #tpu.memory_space<semaphore_mem>> -> memref<1x!tpu.dma_semaphore, #tpu.memory_space<semaphore_mem>>
        %dma_wait3A_916 = tpu.memref_squeeze %dma_wait3A_915 : memref<1x!tpu.dma_semaphore, #tpu.memory_space<semaphore_mem>> -> memref<!tpu.dma_semaphore, #tpu.memory_space<semaphore_mem>>
        %dma_wait3A_917 = arith.constant 0 : i32
        %dma_wait3A_918 = arith.constant 0 : i32
        %dma_wait3A_919 = tpu.memref_slice %arg10[%rem3A_888, %dma_wait3A_917, %dma_wait3A_918] : memref<3x8x128xi32, #tpu.memory_space<vmem>> -> memref<1x8x128xi32, #tpu.memory_space<vmem>>
        %dma_wait3A_920 = tpu.memref_squeeze %dma_wait3A_919 : memref<1x8x128xi32, #tpu.memory_space<vmem>> -> memref<8x128xi32, #tpu.memory_space<vmem>>
        %dma_wait3A_921 = arith.constant 0 : i32
        %dma_wait3A_922 = tpu.memref_slice %arg4[%multiple_of3A_892, %dma_wait3A_921] : memref<2560x128xi32, #tpu.memory_space<hbm>> -> memref<8x128xi32, #tpu.memory_space<hbm>>
        tpu.wait_dma2 semaphore(%dma_wait3A_916 : memref<!tpu.dma_semaphore, #tpu.memory_space<semaphore_mem>>) src(%dma_wait3A_922 : memref<8x128xi32, #tpu.memory_space<hbm>>) dst(%dma_wait3A_920 : memref<8x128xi32, #tpu.memory_space<vmem>>)
      } else {
      }
      %dma_wait3A_845 = arith.constant 0 : i32
      %dma_wait3A_846 = arith.constant 6 : i32
      %dma_wait3A_847 = arith.constant 0 : i32
      %dma_wait3A_848 = arith.constant 0 : i32
      %dma_wait3A_849 = arith.constant 0 : i32
      %dma_wait3A_850 = tpu.memref_slice %arg11[%dma_wait3A_845, %dma_wait3A_848, %dma_wait3A_849] : memref<2x128x128xf32, #tpu.memory_space<vmem>> -> memref<1x128x128xf32, #tpu.memory_space<vmem>>
      %dma_wait3A_851 = tpu.memref_squeeze %dma_wait3A_850 : memref<1x128x128xf32, #tpu.memory_space<vmem>> -> memref<128x128xf32, #tpu.memory_space<vmem>>
      %dma_wait3A_852 = arith.constant 0 : i32
      %dma_wait3A_853 = tpu.memref_slice %arg9[%rem3A_361, %dma_wait3A_846, %dma_wait3A_852] : memref<3x8x128xi32, #tpu.memory_space<vmem>> -> memref<1x1x128xi32, #tpu.memory_space<vmem>>
      %dma_wait3A_854 = tpu.memref_squeeze %dma_wait3A_853 : memref<1x1x128xi32, #tpu.memory_space<vmem>> -> memref<128xi32, #tpu.memory_space<vmem>>
      %dma_wait3A_855 = arith.constant 0 : i32
      %dma_wait3A_856 = arith.constant 0 : i32
      %dma_wait3A_857 = tpu.memref_slice %arg7[%dma_wait3A_855, %dma_wait3A_856] : memref<10240x128xf32, #tpu.memory_space<vmem_shared>> -> memref<10240x128xf32, #tpu.memory_space<vmem_shared>>
      %dma_wait3A_858 = tpu.memref_slice %arg15[%dma_wait3A_847] : memref<2x!tpu.dma_semaphore, #tpu.memory_space<semaphore_mem>> -> memref<1x!tpu.dma_semaphore, #tpu.memory_space<semaphore_mem>>
      %dma_wait3A_859 = tpu.memref_squeeze %dma_wait3A_858 : memref<1x!tpu.dma_semaphore, #tpu.memory_space<semaphore_mem>> -> memref<!tpu.dma_semaphore, #tpu.memory_space<semaphore_mem>>
      tpu.wait_indirect_dma semaphore(%dma_wait3A_859 : memref<!tpu.dma_semaphore, #tpu.memory_space<semaphore_mem>>) src(%dma_wait3A_851 : memref<128x128xf32, #tpu.memory_space<vmem>>) dst(%dma_wait3A_857 : memref<10240x128xf32, #tpu.memory_space<vmem_shared>>)
      %lt3A_860 = arith.constant 9 : i32
      %lt3A_861 = arith.cmpi slt, %scan3A_359, %lt3A_860 : i32
      %convert_element_type3A_862 = arith.extui %lt3A_861 : i1 to i32
      %cond3A_863 = arith.constant 0 : i32
      %cond3A_864 = arith.cmpi ne, %convert_element_type3A_862, %cond3A_863 : i32
      scf.if %cond3A_864 {
        %dma_start3A_885 = arith.constant 0 : i32
        %dma_start3A_886 = arith.constant 0 : i32
        %dma_start3A_887 = arith.constant 0 : i32
        %dma_start3A_888 = arith.constant 0 : i32
        %dma_start3A_889 = arith.constant 0 : i32
        %dma_start3A_890 = tpu.memref_slice %arg11[%dma_start3A_886, %dma_start3A_888, %dma_start3A_889] : memref<2x128x128xf32, #tpu.memory_space<vmem>> -> memref<1x128x128xf32, #tpu.memory_space<vmem>>
        %dma_start3A_891 = tpu.memref_squeeze %dma_start3A_890 : memref<1x128x128xf32, #tpu.memory_space<vmem>> -> memref<128x128xf32, #tpu.memory_space<vmem>>
        %dma_start3A_892 = arith.constant 0 : i32
        %dma_start3A_893 = tpu.memref_slice %arg10[%rem3A_365, %dma_start3A_885, %dma_start3A_892] : memref<3x8x128xi32, #tpu.memory_space<vmem>> -> memref<1x1x128xi32, #tpu.memory_space<vmem>>
        %dma_start3A_894 = tpu.memref_squeeze %dma_start3A_893 : memref<1x1x128xi32, #tpu.memory_space<vmem>> -> memref<128xi32, #tpu.memory_space<vmem>>
        %dma_start3A_895 = arith.constant 0 : i32
        %dma_start3A_896 = arith.constant 0 : i32
        %dma_start3A_897 = tpu.memref_slice %arg2[%dma_start3A_895, %dma_start3A_896] : memref<10000x128xf32, #tpu.memory_space<hbm>> -> memref<10000x128xf32, #tpu.memory_space<hbm>>
        %dma_start3A_898 = tpu.memref_slice %arg14[%dma_start3A_887] : memref<2x!tpu.dma_semaphore, #tpu.memory_space<semaphore_mem>> -> memref<1x!tpu.dma_semaphore, #tpu.memory_space<semaphore_mem>>
        %dma_start3A_899 = tpu.memref_squeeze %dma_start3A_898 : memref<1x!tpu.dma_semaphore, #tpu.memory_space<semaphore_mem>> -> memref<!tpu.dma_semaphore, #tpu.memory_space<semaphore_mem>>
        tpu.enqueue_indirect_dma source(%dma_start3A_897 : memref<10000x128xf32, #tpu.memory_space<hbm>>) target(%dma_start3A_891 : memref<128x128xf32, #tpu.memory_space<vmem>>) offsets(%dma_start3A_894 : memref<128xi32, #tpu.memory_space<vmem>>) semaphore(%dma_start3A_899 : memref<!tpu.dma_semaphore, #tpu.memory_space<semaphore_mem>>)
      } else {
      }
      %dma_wait3A_865 = arith.constant 1 : i32
      %dma_wait3A_866 = arith.constant 7 : i32
      %dma_wait3A_867 = arith.constant 1 : i32
      %dma_wait3A_868 = arith.constant 0 : i32
      %dma_wait3A_869 = arith.constant 0 : i32
      %dma_wait3A_870 = tpu.memref_slice %arg11[%dma_wait3A_865, %dma_wait3A_868, %dma_wait3A_869] : memref<2x128x128xf32, #tpu.memory_space<vmem>> -> memref<1x128x128xf32, #tpu.memory_space<vmem>>
      %dma_wait3A_871 = tpu.memref_squeeze %dma_wait3A_870 : memref<1x128x128xf32, #tpu.memory_space<vmem>> -> memref<128x128xf32, #tpu.memory_space<vmem>>
      %dma_wait3A_872 = arith.constant 0 : i32
      %dma_wait3A_873 = tpu.memref_slice %arg9[%rem3A_361, %dma_wait3A_866, %dma_wait3A_872] : memref<3x8x128xi32, #tpu.memory_space<vmem>> -> memref<1x1x128xi32, #tpu.memory_space<vmem>>
      %dma_wait3A_874 = tpu.memref_squeeze %dma_wait3A_873 : memref<1x1x128xi32, #tpu.memory_space<vmem>> -> memref<128xi32, #tpu.memory_space<vmem>>
      %dma_wait3A_875 = arith.constant 0 : i32
      %dma_wait3A_876 = arith.constant 0 : i32
      %dma_wait3A_877 = tpu.memref_slice %arg7[%dma_wait3A_875, %dma_wait3A_876] : memref<10240x128xf32, #tpu.memory_space<vmem_shared>> -> memref<10240x128xf32, #tpu.memory_space<vmem_shared>>
      %dma_wait3A_878 = tpu.memref_slice %arg15[%dma_wait3A_867] : memref<2x!tpu.dma_semaphore, #tpu.memory_space<semaphore_mem>> -> memref<1x!tpu.dma_semaphore, #tpu.memory_space<semaphore_mem>>
      %dma_wait3A_879 = tpu.memref_squeeze %dma_wait3A_878 : memref<1x!tpu.dma_semaphore, #tpu.memory_space<semaphore_mem>> -> memref<!tpu.dma_semaphore, #tpu.memory_space<semaphore_mem>>
      tpu.wait_indirect_dma semaphore(%dma_wait3A_879 : memref<!tpu.dma_semaphore, #tpu.memory_space<semaphore_mem>>) src(%dma_wait3A_871 : memref<128x128xf32, #tpu.memory_space<vmem>>) dst(%dma_wait3A_877 : memref<10240x128xf32, #tpu.memory_space<vmem_shared>>)
      %lt3A_880 = arith.constant 9 : i32
      %lt3A_881 = arith.cmpi slt, %scan3A_359, %lt3A_880 : i32
      %convert_element_type3A_882 = arith.extui %lt3A_881 : i1 to i32
      %cond3A_883 = arith.constant 0 : i32
      %cond3A_884 = arith.cmpi ne, %convert_element_type3A_882, %cond3A_883 : i32
      scf.if %cond3A_884 {
        %dma_start3A_885 = arith.constant 1 : i32
        %dma_start3A_886 = arith.constant 1 : i32
        %dma_start3A_887 = arith.constant 1 : i32
        %dma_start3A_888 = arith.constant 0 : i32
        %dma_start3A_889 = arith.constant 0 : i32
        %dma_start3A_890 = tpu.memref_slice %arg11[%dma_start3A_886, %dma_start3A_888, %dma_start3A_889] : memref<2x128x128xf32, #tpu.memory_space<vmem>> -> memref<1x128x128xf32, #tpu.memory_space<vmem>>
        %dma_start3A_891 = tpu.memref_squeeze %dma_start3A_890 : memref<1x128x128xf32, #tpu.memory_space<vmem>> -> memref<128x128xf32, #tpu.memory_space<vmem>>
        %dma_start3A_892 = arith.constant 0 : i32
        %dma_start3A_893 = tpu.memref_slice %arg10[%rem3A_365, %dma_start3A_885, %dma_start3A_892] : memref<3x8x128xi32, #tpu.memory_space<vmem>> -> memref<1x1x128xi32, #tpu.memory_space<vmem>>
        %dma_start3A_894 = tpu.memref_squeeze %dma_start3A_893 : memref<1x1x128xi32, #tpu.memory_space<vmem>> -> memref<128xi32, #tpu.memory_space<vmem>>
        %dma_start3A_895 = arith.constant 0 : i32
        %dma_start3A_896 = arith.constant 0 : i32
        %dma_start3A_897 = tpu.memref_slice %arg2[%dma_start3A_895, %dma_start3A_896] : memref<10000x128xf32, #tpu.memory_space<hbm>> -> memref<10000x128xf32, #tpu.memory_space<hbm>>
        %dma_start3A_898 = tpu.memref_slice %arg14[%dma_start3A_887] : memref<2x!tpu.dma_semaphore, #tpu.memory_space<semaphore_mem>> -> memref<1x!tpu.dma_semaphore, #tpu.memory_space<semaphore_mem>>
        %dma_start3A_899 = tpu.memref_squeeze %dma_start3A_898 : memref<1x!tpu.dma_semaphore, #tpu.memory_space<semaphore_mem>> -> memref<!tpu.dma_semaphore, #tpu.memory_space<semaphore_mem>>
        tpu.enqueue_indirect_dma source(%dma_start3A_897 : memref<10000x128xf32, #tpu.memory_space<hbm>>) target(%dma_start3A_891 : memref<128x128xf32, #tpu.memory_space<vmem>>) offsets(%dma_start3A_894 : memref<128xi32, #tpu.memory_space<vmem>>) semaphore(%dma_start3A_899 : memref<!tpu.dma_semaphore, #tpu.memory_space<semaphore_mem>>)
      } else {
      }
    }
    %scan3A_273 = arith.constant 10 : i32
    %dma_wait3A_274 = arith.constant 0 : i32
    %dma_wait3A_275 = arith.constant 0 : i32
    %dma_wait3A_276 = arith.constant 0 : i32
    %dma_wait3A_277 = tpu.memref_slice %arg9[%dma_wait3A_274, %dma_wait3A_275, %dma_wait3A_276] : memref<3x8x128xi32, #tpu.memory_space<vmem>> -> memref<1x1x128xi32, #tpu.memory_space<vmem>>
    %dma_wait3A_278 = tpu.memref_squeeze %dma_wait3A_277 : memref<1x1x128xi32, #tpu.memory_space<vmem>> -> memref<128xi32, #tpu.memory_space<vmem>>
    %dma_wait3A_279 = arith.constant 0 : i32
    %dma_wait3A_280 = tpu.memref_slice %arg8[%dma_wait3A_279] : memref<10240xf32, #tpu.memory_space<vmem_shared>> -> memref<10240xf32, #tpu.memory_space<vmem_shared>>
    tpu.wait_indirect_dma semaphore(%arg16 : memref<!tpu.dma_semaphore, #tpu.memory_space<semaphore_mem>>) src(%arg12 : memref<128xf32, #tpu.memory_space<vmem>>) dst(%dma_wait3A_280 : memref<10240xf32, #tpu.memory_space<vmem_shared>>)
    %dma_wait3A_281 = arith.constant 0 : i32
    %dma_wait3A_282 = arith.constant 0 : i32
    %dma_wait3A_283 = arith.constant 0 : i32
    %dma_wait3A_284 = tpu.memref_slice %arg9[%dma_wait3A_281, %dma_wait3A_282, %dma_wait3A_283] : memref<3x8x128xi32, #tpu.memory_space<vmem>> -> memref<1x1x128xi32, #tpu.memory_space<vmem>>
    %dma_wait3A_285 = tpu.memref_squeeze %dma_wait3A_284 : memref<1x1x128xi32, #tpu.memory_space<vmem>> -> memref<128xi32, #tpu.memory_space<vmem>>
    %dma_wait3A_286 = arith.constant 0 : i32
    %dma_wait3A_287 = tpu.memref_slice %arg8[%dma_wait3A_286] : memref<10240xf32, #tpu.memory_space<vmem_shared>> -> memref<10240xf32, #tpu.memory_space<vmem_shared>>
    tpu.wait_indirect_dma semaphore(%arg16 : memref<!tpu.dma_semaphore, #tpu.memory_space<semaphore_mem>>) src(%arg12 : memref<128xf32, #tpu.memory_space<vmem>>) dst(%dma_wait3A_287 : memref<10240xf32, #tpu.memory_space<vmem_shared>>)
    %dma_wait3A_288 = arith.constant 0 : i32
    %dma_wait3A_289 = arith.constant 0 : i32
    %dma_wait3A_290 = arith.constant 0 : i32
    %dma_wait3A_291 = tpu.memref_slice %arg9[%dma_wait3A_288, %dma_wait3A_289, %dma_wait3A_290] : memref<3x8x128xi32, #tpu.memory_space<vmem>> -> memref<1x1x128xi32, #tpu.memory_space<vmem>>
    %dma_wait3A_292 = tpu.memref_squeeze %dma_wait3A_291 : memref<1x1x128xi32, #tpu.memory_space<vmem>> -> memref<128xi32, #tpu.memory_space<vmem>>
    %dma_wait3A_293 = arith.constant 0 : i32
    %dma_wait3A_294 = tpu.memref_slice %arg8[%dma_wait3A_293] : memref<10240xf32, #tpu.memory_space<vmem_shared>> -> memref<10240xf32, #tpu.memory_space<vmem_shared>>
    tpu.wait_indirect_dma semaphore(%arg16 : memref<!tpu.dma_semaphore, #tpu.memory_space<semaphore_mem>>) src(%arg12 : memref<128xf32, #tpu.memory_space<vmem>>) dst(%dma_wait3A_294 : memref<10240xf32, #tpu.memory_space<vmem_shared>>)
    %dma_wait3A_295 = arith.constant 0 : i32
    %dma_wait3A_296 = arith.constant 0 : i32
    %dma_wait3A_297 = arith.constant 0 : i32
    %dma_wait3A_298 = tpu.memref_slice %arg9[%dma_wait3A_295, %dma_wait3A_296, %dma_wait3A_297] : memref<3x8x128xi32, #tpu.memory_space<vmem>> -> memref<1x1x128xi32, #tpu.memory_space<vmem>>
    %dma_wait3A_299 = tpu.memref_squeeze %dma_wait3A_298 : memref<1x1x128xi32, #tpu.memory_space<vmem>> -> memref<128xi32, #tpu.memory_space<vmem>>
    %dma_wait3A_300 = arith.constant 0 : i32
    %dma_wait3A_301 = tpu.memref_slice %arg8[%dma_wait3A_300] : memref<10240xf32, #tpu.memory_space<vmem_shared>> -> memref<10240xf32, #tpu.memory_space<vmem_shared>>
    tpu.wait_indirect_dma semaphore(%arg16 : memref<!tpu.dma_semaphore, #tpu.memory_space<semaphore_mem>>) src(%arg12 : memref<128xf32, #tpu.memory_space<vmem>>) dst(%dma_wait3A_301 : memref<10240xf32, #tpu.memory_space<vmem_shared>>)
    %dma_wait3A_302 = arith.constant 0 : i32
    %dma_wait3A_303 = arith.constant 0 : i32
    %dma_wait3A_304 = arith.constant 0 : i32
    %dma_wait3A_305 = tpu.memref_slice %arg9[%dma_wait3A_302, %dma_wait3A_303, %dma_wait3A_304] : memref<3x8x128xi32, #tpu.memory_space<vmem>> -> memref<1x1x128xi32, #tpu.memory_space<vmem>>
    %dma_wait3A_306 = tpu.memref_squeeze %dma_wait3A_305 : memref<1x1x128xi32, #tpu.memory_space<vmem>> -> memref<128xi32, #tpu.memory_space<vmem>>
    %dma_wait3A_307 = arith.constant 0 : i32
    %dma_wait3A_308 = tpu.memref_slice %arg8[%dma_wait3A_307] : memref<10240xf32, #tpu.memory_space<vmem_shared>> -> memref<10240xf32, #tpu.memory_space<vmem_shared>>
    tpu.wait_indirect_dma semaphore(%arg16 : memref<!tpu.dma_semaphore, #tpu.memory_space<semaphore_mem>>) src(%arg12 : memref<128xf32, #tpu.memory_space<vmem>>) dst(%dma_wait3A_308 : memref<10240xf32, #tpu.memory_space<vmem_shared>>)
    %dma_wait3A_309 = arith.constant 0 : i32
    %dma_wait3A_310 = arith.constant 0 : i32
    %dma_wait3A_311 = arith.constant 0 : i32
    %dma_wait3A_312 = tpu.memref_slice %arg9[%dma_wait3A_309, %dma_wait3A_310, %dma_wait3A_311] : memref<3x8x128xi32, #tpu.memory_space<vmem>> -> memref<1x1x128xi32, #tpu.memory_space<vmem>>
    %dma_wait3A_313 = tpu.memref_squeeze %dma_wait3A_312 : memref<1x1x128xi32, #tpu.memory_space<vmem>> -> memref<128xi32, #tpu.memory_space<vmem>>
    %dma_wait3A_314 = arith.constant 0 : i32
    %dma_wait3A_315 = tpu.memref_slice %arg8[%dma_wait3A_314] : memref<10240xf32, #tpu.memory_space<vmem_shared>> -> memref<10240xf32, #tpu.memory_space<vmem_shared>>
    tpu.wait_indirect_dma semaphore(%arg16 : memref<!tpu.dma_semaphore, #tpu.memory_space<semaphore_mem>>) src(%arg12 : memref<128xf32, #tpu.memory_space<vmem>>) dst(%dma_wait3A_315 : memref<10240xf32, #tpu.memory_space<vmem_shared>>)
    %dma_wait3A_316 = arith.constant 0 : i32
    %dma_wait3A_317 = arith.constant 0 : i32
    %dma_wait3A_318 = arith.constant 0 : i32
    %dma_wait3A_319 = tpu.memref_slice %arg9[%dma_wait3A_316, %dma_wait3A_317, %dma_wait3A_318] : memref<3x8x128xi32, #tpu.memory_space<vmem>> -> memref<1x1x128xi32, #tpu.memory_space<vmem>>
    %dma_wait3A_320 = tpu.memref_squeeze %dma_wait3A_319 : memref<1x1x128xi32, #tpu.memory_space<vmem>> -> memref<128xi32, #tpu.memory_space<vmem>>
    %dma_wait3A_321 = arith.constant 0 : i32
    %dma_wait3A_322 = tpu.memref_slice %arg8[%dma_wait3A_321] : memref<10240xf32, #tpu.memory_space<vmem_shared>> -> memref<10240xf32, #tpu.memory_space<vmem_shared>>
    tpu.wait_indirect_dma semaphore(%arg16 : memref<!tpu.dma_semaphore, #tpu.memory_space<semaphore_mem>>) src(%arg12 : memref<128xf32, #tpu.memory_space<vmem>>) dst(%dma_wait3A_322 : memref<10240xf32, #tpu.memory_space<vmem_shared>>)
    %dma_wait3A_323 = arith.constant 0 : i32
    %dma_wait3A_324 = arith.constant 0 : i32
    %dma_wait3A_325 = arith.constant 0 : i32
    %dma_wait3A_326 = tpu.memref_slice %arg9[%dma_wait3A_323, %dma_wait3A_324, %dma_wait3A_325] : memref<3x8x128xi32, #tpu.memory_space<vmem>> -> memref<1x1x128xi32, #tpu.memory_space<vmem>>
    %dma_wait3A_327 = tpu.memref_squeeze %dma_wait3A_326 : memref<1x1x128xi32, #tpu.memory_space<vmem>> -> memref<128xi32, #tpu.memory_space<vmem>>
    %dma_wait3A_328 = arith.constant 0 : i32
    %dma_wait3A_329 = tpu.memref_slice %arg8[%dma_wait3A_328] : memref<10240xf32, #tpu.memory_space<vmem_shared>> -> memref<10240xf32, #tpu.memory_space<vmem_shared>>
    tpu.wait_indirect_dma semaphore(%arg16 : memref<!tpu.dma_semaphore, #tpu.memory_space<semaphore_mem>>) src(%arg12 : memref<128xf32, #tpu.memory_space<vmem>>) dst(%dma_wait3A_329 : memref<10240xf32, #tpu.memory_space<vmem_shared>>)
    %barrier3A_330 = arith.constant 0 : index
    tpu.barrier barrier_id(%barrier3A_330)
    %mul3A_331 = arith.constant 640 : i32
    %mul3A_332 = arith.muli %arg1, %mul3A_331 : i32
    %multiple_of3A_333 = tpu.assume_multiple %mul3A_332, 8 : i32
    %mul3A_334 = arith.constant 640 : i32
    %mul3A_335 = arith.muli %arg1, %mul3A_334 : i32
    %multiple_of3A_336 = tpu.assume_multiple %mul3A_335, 8 : i32
    %mul3A_337 = arith.constant 640 : i32
    %mul3A_338 = arith.muli %arg1, %mul3A_337 : i32
    %multiple_of3A_339 = tpu.assume_multiple %mul3A_338, 8 : i32
    %mul3A_340 = arith.constant 640 : i32
    %mul3A_341 = arith.muli %arg1, %mul3A_340 : i32
    %multiple_of3A_342 = tpu.assume_multiple %mul3A_341, 8 : i32
    %dma_start3A_343 = arith.constant 0 : i32
    %dma_start3A_344 = tpu.memref_slice %arg5[%arg0, %multiple_of3A_336, %dma_start3A_343] : memref<2x10240x128xf32, #tpu.memory_space<hbm>> -> memref<1x640x128xf32, #tpu.memory_space<hbm>>
    %dma_start3A_345 = tpu.memref_squeeze %dma_start3A_344 : memref<1x640x128xf32, #tpu.memory_space<hbm>> -> memref<640x128xf32, #tpu.memory_space<hbm>>
    %dma_start3A_346 = arith.constant 0 : i32
    %dma_start3A_347 = tpu.memref_slice %arg7[%multiple_of3A_333, %dma_start3A_346] : memref<10240x128xf32, #tpu.memory_space<vmem_shared>> -> memref<640x128xf32, #tpu.memory_space<vmem_shared>>
    tpu.enqueue_dma source(%dma_start3A_347 : memref<640x128xf32, #tpu.memory_space<vmem_shared>>) target(%dma_start3A_345 : memref<640x128xf32, #tpu.memory_space<hbm>>) target_semaphore(%arg18 : memref<!tpu.dma_semaphore, #tpu.memory_space<semaphore_mem>>)
    %dma_start3A_348 = tpu.memref_slice %arg6[%arg0, %multiple_of3A_342] : memref<2x10240xf32, #tpu.memory_space<hbm>> -> memref<1x640xf32, #tpu.memory_space<hbm>>
    %dma_start3A_349 = tpu.memref_squeeze %dma_start3A_348 : memref<1x640xf32, #tpu.memory_space<hbm>> -> memref<640xf32, #tpu.memory_space<hbm>>
    %dma_start3A_350 = tpu.memref_slice %arg8[%multiple_of3A_339] : memref<10240xf32, #tpu.memory_space<vmem_shared>> -> memref<640xf32, #tpu.memory_space<vmem_shared>>
    tpu.enqueue_dma source(%dma_start3A_350 : memref<640xf32, #tpu.memory_space<vmem_shared>>) target(%dma_start3A_349 : memref<640xf32, #tpu.memory_space<hbm>>) target_semaphore(%arg18 : memref<!tpu.dma_semaphore, #tpu.memory_space<semaphore_mem>>)
    %dma_wait3A_351 = arith.constant 0 : i32
    %dma_wait3A_352 = tpu.memref_slice %arg5[%arg0, %multiple_of3A_336, %dma_wait3A_351] : memref<2x10240x128xf32, #tpu.memory_space<hbm>> -> memref<1x640x128xf32, #tpu.memory_space<hbm>>
    %dma_wait3A_353 = tpu.memref_squeeze %dma_wait3A_352 : memref<1x640x128xf32, #tpu.memory_space<hbm>> -> memref<640x128xf32, #tpu.memory_space<hbm>>
    %dma_wait3A_354 = arith.constant 0 : i32
    %dma_wait3A_355 = tpu.memref_slice %arg7[%multiple_of3A_333, %dma_wait3A_354] : memref<10240x128xf32, #tpu.memory_space<vmem_shared>> -> memref<640x128xf32, #tpu.memory_space<vmem_shared>>
    tpu.wait_dma2 semaphore(%arg18 : memref<!tpu.dma_semaphore, #tpu.memory_space<semaphore_mem>>) src(%dma_wait3A_355 : memref<640x128xf32, #tpu.memory_space<vmem_shared>>) dst(%dma_wait3A_353 : memref<640x128xf32, #tpu.memory_space<hbm>>)
    %dma_wait3A_356 = tpu.memref_slice %arg6[%arg0, %multiple_of3A_342] : memref<2x10240xf32, #tpu.memory_space<hbm>> -> memref<1x640xf32, #tpu.memory_space<hbm>>
    %dma_wait3A_357 = tpu.memref_squeeze %dma_wait3A_356 : memref<1x640xf32, #tpu.memory_space<hbm>> -> memref<640xf32, #tpu.memory_space<hbm>>
    %dma_wait3A_358 = tpu.memref_slice %arg8[%multiple_of3A_339] : memref<10240xf32, #tpu.memory_space<vmem_shared>> -> memref<640xf32, #tpu.memory_space<vmem_shared>>
    tpu.wait_dma2 semaphore(%arg18 : memref<!tpu.dma_semaphore, #tpu.memory_space<semaphore_mem>>) src(%dma_wait3A_358 : memref<640xf32, #tpu.memory_space<vmem_shared>>) dst(%dma_wait3A_357 : memref<640xf32, #tpu.memory_space<hbm>>)
    return
  }
}

module attributes {stable_mosaic.version = 14 : i64} {
  func.func @_combine_body(%arg0: i32, %arg1: memref<2x2000x128xf32, #tpu.memory_space<vmem>>, %arg2: memref<2x2000x1xf32, #tpu.memory_space<vmem>>, %arg3: memref<2000x128xf32, #tpu.memory_space<vmem>>, %arg4: memref<2000x256xf32, #tpu.memory_space<vmem>>) attributes {dimension_semantics = [#tpu.dimension_semantics<arbitrary>], iteration_bounds = array<i64: 5>, scalar_prefetch = 0 : i64, scratch_operands = 0 : i64, tpu.core_type = #tpu.core_type<tc>, window_params = [{transform_indices = @transform_0, window_bounds = array<i64: 2, 2000, 128>}, {transform_indices = @transform_1, window_bounds = array<i64: 2, 2000, 1>}, {transform_indices = @transform_2, window_bounds = array<i64: 2000, 128>}, {transform_indices = @transform_3, window_bounds = array<i64: 2000, 256>}]} {
    %get3A = arith.constant 0 : index
    %get3A_0 = arith.constant 0 : index
    %get3A_1 = arith.constant 0 : index
    %get3A_2 = vector.load %arg1[%get3A, %get3A_0, %get3A_1] : memref<2x2000x128xf32, #tpu.memory_space<vmem>>, vector<1x2000x128xf32>
    %get3A_3 = vector.shape_cast %get3A_2 : vector<1x2000x128xf32> to vector<2000x128xf32>
    %get3A_4 = arith.constant 1 : index
    %get3A_5 = arith.constant 0 : index
    %get3A_6 = arith.constant 0 : index
    %get3A_7 = vector.load %arg1[%get3A_4, %get3A_5, %get3A_6] : memref<2x2000x128xf32, #tpu.memory_space<vmem>>, vector<1x2000x128xf32>
    %get3A_8 = vector.shape_cast %get3A_7 : vector<1x2000x128xf32> to vector<2000x128xf32>
    %add3A = arith.addf %get3A_3, %get3A_8 : vector<2000x128xf32>
    %get3A_9 = arith.constant 0 : index
    %get3A_10 = arith.constant 0 : index
    %get3A_11 = arith.constant 0 : index
    %get3A_12 = vector.load %arg2[%get3A_9, %get3A_10, %get3A_11] : memref<2x2000x1xf32, #tpu.memory_space<vmem>>, vector<1x2000x1xf32>
    %get3A_13 = vector.shape_cast %get3A_12 : vector<1x2000x1xf32> to vector<2000x1xf32>
    %get3A_14 = arith.constant 1 : index
    %get3A_15 = arith.constant 0 : index
    %get3A_16 = arith.constant 0 : index
    %get3A_17 = vector.load %arg2[%get3A_14, %get3A_15, %get3A_16] : memref<2x2000x1xf32, #tpu.memory_space<vmem>>, vector<1x2000x1xf32>
    %get3A_18 = vector.shape_cast %get3A_17 : vector<1x2000x1xf32> to vector<2000x1xf32>
    %add3A_19 = arith.addf %get3A_13, %get3A_18 : vector<2000x1xf32>
    %max3A = arith.constant 1.000000e+00 : f32
    %max3A_20 = vector.broadcast %max3A : f32 to vector<2000x1xf32>
    %max3A_21 = arith.maximumf %add3A_19, %max3A_20 : vector<2000x1xf32>
    %div3A = vector.broadcast %max3A_21 : vector<2000x1xf32> to vector<2000x128xf32>
    %div3A_22 = arith.divf %add3A, %div3A : vector<2000x128xf32>
    %swap3A = arith.constant 0 : index
    %swap3A_23 = arith.constant 0 : index
    %swap3A_24 = vector.load %arg4[%swap3A, %swap3A_23] : memref<2000x256xf32, #tpu.memory_space<vmem>>, vector<2000x128xf32>
    tpu.vector_store %arg4[%swap3A, %swap3A_23], %div3A_22 {strides = array<i32>} : memref<2000x256xf32, #tpu.memory_space<vmem>>, vector<2000x128xf32>,
    %gt3A = arith.constant 0.000000e+00 : f32
    %gt3A_25 = vector.broadcast %gt3A : f32 to vector<2000x1xf32>
    %gt3A_26 = arith.cmpf ogt, %add3A_19, %gt3A_25 : vector<2000x1xf32>
    %get3A_27 = arith.constant 0 : index
    %get3A_28 = arith.constant 0 : index
    %get3A_29 = vector.load %arg3[%get3A_27, %get3A_28] : memref<2000x128xf32, #tpu.memory_space<vmem>>, vector<2000x128xf32>
    %jit3A = arith.constant 0.000000e+00 : f32
    %broadcast_in_dim3A = vector.shape_cast %gt3A_26 : vector<2000x1xi1> to vector<2000x1xi1>
    %broadcast_in_dim3A_30 = vector.broadcast %broadcast_in_dim3A : vector<2000x1xi1> to vector<2000x128xi1>
    %broadcast_in_dim3A_31 = vector.broadcast %jit3A : f32 to vector<2000x128xf32>
    %select_n3A = arith.select %broadcast_in_dim3A_30, %get3A_29, %broadcast_in_dim3A_31 : vector<2000x128xi1>, vector<2000x128xf32>
    %swap3A_32 = arith.constant 0 : index
    %swap3A_33 = arith.constant 128 : index
    %swap3A_34 = vector.load %arg4[%swap3A_32, %swap3A_33] : memref<2000x256xf32, #tpu.memory_space<vmem>>, vector<2000x128xf32>
    tpu.vector_store %arg4[%swap3A_32, %swap3A_33], %select_n3A {strides = array<i32>} : memref<2000x256xf32, #tpu.memory_space<vmem>>, vector<2000x128xf32>,
    return
  }
  func.func @transform_0(%arg0: i32) -> (i32, i32, i32) {
    %c0_i32 = arith.constant 0 : i32
    %c0_i32_0 = arith.constant 0 : i32
    %c0_i32_1 = arith.constant 0 : i32
    return %c0_i32, %arg0, %c0_i32_0 : i32, i32, i32
  }
  func.func @transform_1(%arg0: i32) -> (i32, i32, i32) {
    %c0_i32 = arith.constant 0 : i32
    %c0_i32_0 = arith.constant 0 : i32
    %c0_i32_1 = arith.constant 0 : i32
    return %c0_i32, %arg0, %c0_i32_0 : i32, i32, i32
  }
  func.func @transform_2(%arg0: i32) -> (i32, i32) {
    %c0_i32 = arith.constant 0 : i32
    %c0_i32_0 = arith.constant 0 : i32
    return %arg0, %c0_i32 : i32, i32
  }
  func.func @transform_3(%arg0: i32) -> (i32, i32) {
    %c0_i32 = arith.constant 0 : i32
    %c0_i32_0 = arith.constant 0 : i32
    return %arg0, %c0_i32 : i32, i32
  }
}

</mosaic_0001>

<sc_bundles>
// kernel: kernel.4.cloned.1.call-start
scs
__scs_entry_jumppad:
0x0: {  	(pc) =	sbr.rel $0x88, $3  }
0x1: {  	(tag) =	ssettag $0x0;
	lr =	simm.s32 $0x1  }
0x2: {  	[smem:$0x3F9F] =	sst lr;
	_ =	strace $0xD0000000  }
0x3: {  	_ = 	snop  }
0x4: {  	_ = 	snop  }
0x5: {  	_ = 	snop  }
0x6: {  	_ = 	snop  }
0x7: {  	_ = 	snop  }
__scs_overlays_trampoline_lowered:
0x8: {  	[smem:$0x3FAE] =	sst s0  }
0x9: {  	[smem:$0x3FAF] =	sst s1  }
0xa: {  	[smem:$0x3FB0] =	sst s2  }
0xb: {  	[smem:$0x3FB1] =	sst s3  }
0xc: {  	[smem:$0x3FB2] =	sst s4  }
0xd: {  	[smem:$0x3FB3] =	sst s5  }
0xe: {  	[smem:$0x3FB4] =	sst s6  }
0xf: {  	[smem:$0x3FB5] =	sst s7  }
0x10: {  	[smem:$0x3FB6] =	sst s8  }
0x11: {  	[smem:$0x3FB7] =	sst s9;
	s0 =	simm.s32 @!p0 $0x0  }
0x12: {  	s1 =	sld [smem:$0x3F9D];
	s0 =	simm.s32 @p0 $0x1  }
0x13: {  	[smem:$0x3FB8] =	sst s0;
	s0 =	simm.s32 @!p1 $0x0  }
0x14: {  	s2 =	sld [smem:$0x3F9C];
	s0 =	simm.s32 @p1 $0x1  }
0x15: {  	[smem:$0x3FB9] =	sst s0;
	s0 =	simm.s32 @!p2 $0x0  }
0x16: {  	s3 =	sld [smem:$0x3FDB];
	s0 =	simm.s32 @p2 $0x1  }
0x17: {  	s4 =	simm.s32 $0x1BF5;
	[smem:$0x3FBB] =	sst s0  }
0x18: {  	s0 =	sld [smem:$0x3F9E];
	_ =	swait.ge [sflag:s4], $0x0  }
0x19: {  	s7 =	sld [smem:$0x3F9F]  }
0x1a: {  	s8 =	sadd.s32 $0xFFFFE003, lr  }
0x1b: {  	s9 =	sadd.s32 $0xFFFFFEF7, lr;
	s5 =	simm.s32 $0xFFFFFFFF;
	p2 =	slt.u32 s8, $0xFFFFF086  }
0x1c: {  	p1 =	slt.u32 s9, $0xF7A;
	s5 =	simm.s32 @!p2 $0x0  }
0x1d: {  	s5 =	simm.s32 @p1 $0x1;
	p0 =	seq.s32 s7, s2  }
0x1e: {  	s7 =	smul.u32 @!p0 $0xF7A, s2;
	p2 =	seq.s32 @!p0 s5, $0x0  }
0x1f: {  	s9 =	smul.u32 $0xF7A, s1;
	s8 =	simm.s32 @!p0 $0x1BF5;
	p2 =	por !p2, p0  }
0x20: {  	[sflag:s8] =	ssyncset.s32 @!p0 $0xFFFFF086;
	s6 =	sadd.s32 @!p0 s3, s7;
	s7 =	simm.s32 @!p0 $0x108  }
0x21: {  	s3 =	sadd.s32 s3, s9;
	s6 =	sadd.s32 @!p0 $0x88, s6;
	s7 =	simm.s32 @p2 $0x1082  }
0x22: {  	[simem:s7], [sflag:s8] =	dma.local @!p0 [hbm:s6], $0xF7A  }
0x23: {  	s9 =	sor.u32 $0xD0000000, s2;
	s6 =	simm.s32 $0x108;
	_ =	swait.ge @!p0 [sflag:s8], $0x0  }
0x24: {  	s3 =	sadd.s32 $0x88, s3;
	s6 =	simm.s32 @!p1 $0x1082;
	[sflag:s4] =	ssyncset.s32 $0xFFFFF086  }
0x25: {  	[simem:s6], [sflag:s4] =	dma.local [hbm:s3], $0xF7A  }
0x26: {  	[smem:$0x3F9F] =	sst s1;
	(tag) =	ssettag s2;
	_ =	strace s9  }
0x27: {  	s1 =	sld [smem:$0x3FAF]  }
0x28: {  	s2 =	sld [smem:$0x3FB0]  }
0x29: {  	s4 =	sld [smem:$0x3FB2]  }
0x2a: {  	p0 =	seq.s32 s5, $0x0;
	s5 =	sld [smem:$0x3FB3]  }
0x2b: {  	s6 =	sld [smem:$0x3FB4]  }
0x2c: {  	s7 =	sld [smem:$0x3FB5]  }
0x2d: {  	s3 =	simm.s32 $0x108;
	s8 =	sld [smem:$0x3FB6]  }
0x2e: {  	s3 =	simm.s32 @!p0 $0x1082;
	s9 =	sld [smem:$0x3FB7]  }
0x2f: {  	lr =	sadd.s32 s0, s3;
	s0 =	sld [smem:$0x3FAE]  }
0x30: {  	s3 =	sld [smem:$0x3FB1]  }
0x31: {  	[smem:$0x3FBA] =	sst s10  }
0x32: {  	s10 =	sld [smem:$0x3FB8];
	_ =	sdelay $0x3  }
0x33: {  	p0 =	seq.s32 s10, $0x1;
	s10 =	sld [smem:$0x3FBA];
	_ =	sdelay $0x3  }
0x34: {  	[smem:$0x3FBA] =	sst s10  }
0x35: {  	s10 =	sld [smem:$0x3FB9];
	_ =	sdelay $0x3  }
0x36: {  	p1 =	seq.s32 s10, $0x1;
	s10 =	sld [smem:$0x3FBA];
	_ =	sdelay $0x3  }
0x37: {  	[smem:$0x3FBA] =	sst s10  }
0x38: {  	s10 =	sld [smem:$0x3FBB]  }
0x39: {  	_ = 	snop;
	(pc) =	sbr.ind lr, $3  }
0x3a: {  	_ = 	snop  }
0x3b: {  	_ = 	snop  }
0x3c: {  	p2 =	seq.s32 s10, $0x1;
	s10 =	sld [smem:$0x3FBA]  }
0x3d: {  	_ =	shalt  }
0x3e: {  	_ =	shalt  }
0x3f: {  	_ =	shalt  }
0x40: {  	_ =	shalt  }
0x41: {  	_ =	shalt  }
0x42: {  	_ =	shalt  }
0x43: {  	_ =	shalt  }
0x44: {  	_ =	shalt  }
0x45: {  	_ =	shalt  }
0x46: {  	_ =	shalt  }
0x47: {  	_ =	shalt  }
0x48: {  	_ =	shalt  }
0x49: {  	_ =	shalt  }
0x4a: {  	_ =	shalt  }
0x4b: {  	_ =	shalt  }
0x4c: {  	_ =	shalt  }
0x4d: {  	_ =	shalt  }
0x4e: {  	_ =	shalt  }
0x4f: {  	_ =	shalt  }
0x50: {  	_ =	shalt  }
0x51: {  	_ =	shalt  }
0x52: {  	_ =	shalt  }
0x53: {  	_ =	shalt  }
0x54: {  	_ =	shalt  }
0x55: {  	_ =	shalt  }
0x56: {  	_ =	shalt  }
0x57: {  	_ =	shalt  }
0x58: {  	_ =	shalt  }
0x59: {  	_ =	shalt  }
0x5a: {  	_ =	shalt  }
0x5b: {  	_ =	shalt  }
0x5c: {  	_ =	shalt  }
0x5d: {  	_ =	shalt  }
0x5e: {  	_ =	shalt  }
0x5f: {  	_ =	shalt  }
0x60: {  	_ =	shalt  }
0x61: {  	_ =	shalt  }
0x62: {  	_ =	shalt  }
0x63: {  	_ =	shalt  }
0x64: {  	_ =	shalt  }
0x65: {  	_ =	shalt  }
0x66: {  	_ =	shalt  }
0x67: {  	_ =	shalt  }
0x68: {  	_ =	shalt  }
0x69: {  	_ =	shalt  }
0x6a: {  	_ =	shalt  }
0x6b: {  	_ =	shalt  }
0x6c: {  	_ =	shalt  }
0x6d: {  	_ =	shalt  }
0x6e: {  	_ =	shalt  }
0x6f: {  	_ =	shalt  }
0x70: {  	_ =	shalt  }
0x71: {  	_ =	shalt  }
0x72: {  	_ =	shalt  }
0x73: {  	_ =	shalt  }
0x74: {  	_ =	shalt  }
0x75: {  	_ =	shalt  }
0x76: {  	_ =	shalt  }
0x77: {  	_ =	shalt  }
0x78: {  	_ =	shalt  }
0x79: {  	_ =	shalt  }
0x7a: {  	_ =	shalt  }
0x7b: {  	_ =	shalt  }
0x7c: {  	_ =	shalt  }
0x7d: {  	_ =	shalt  }
0x7e: {  	_ =	shalt  }
0x7f: {  	_ =	shalt  }
0x80: {  	_ =	shalt  }
0x81: {  	_ =	shalt  }
0x82: {  	_ =	shalt  }
0x83: {  	_ =	shalt  }
0x84: {  	_ =	shalt  }
0x85: {  	_ =	shalt  }
0x86: {  	_ =	shalt  }
0x87: {  	_ =	shalt  }
.Lfunc_end0:
.L_simem_size_0:
called_computation_lowered:
.L_overlay_start_0:
0x88: {  	s2 =	sld [smem:$0x3FD9]  }
0x89: {  	s3 =	sld [smem:$0x3FFE];
	_ =	sdelay $0x1  }
0x8a: {  	s1 =	srdreg.scid  }
0x8b: {  	s0 =	sand.u32 $0x1, s1  }
0x8c: {  	s17 =	sshll.u32 s0, $0xA;
	s2 =	sadd.s32 s3, s2  }
0x8d: {  	s2 =	sadd.s32 s2, s17  }
0x8e: {  	[smem:$0x3FC6] =	sst s2  }
0x8f: {  	_ = 	snop  }
0x90: {  	s2 =	sld [smem:$0x3FC9]  }
0x91: {  	s18 =	sld [smem:$0x3FD0];
	(tm) =	ssettm $0x1  }
0x92: {  	s4 =	sld [smem:$0x3FFB];
	_ =	sdelay $0x3  }
0x93: {  	_ =	strace s4  }
0x94: {  	s4 =	sld [smem:$0x3FFC];
	_ =	sdelay $0x3  }
0x95: {  	_ =	strace s4  }
0x96: {  	s4 =	sld [smem:$0x3FFD];
	_ =	sdelay $0x3  }
0x97: {  	_ =	strace s4  }
0x98: {  	_ =	strace $0x8FFFFFFF  }
0x99: {  	s19 =	sld [smem:$0x3FDB];
	_ =	sdelay $0x1  }
0x9a: {  	s5 =	simm.s32 $_scs_section_size  }
0x9b: {  	s6 =	simm.s32 $_size__tile_overlayer_lowered;
	s7 =	simm.s32 $_tile_overlayer_lowered  }
0x9c: {  	s22 =	simm.s32 $0x1BFF;
	s21 =	sshll.u32 s7, $0x1;
	s4 =	sadd.s32 s5, s19  }
0x9d: {  	s8 =	simm.s32 $0x0;
	s20 =	sshll.u32 s6, $0x1;
	s6 =	sadd.s32 s21, s4  }
0x9e: {  	[timem:s8], [sflag:s22] =	dma.local [hbm:s6], s20  }
0x9f: {  	_ =	swait.ge [sflag:s22], s20  }
0xa0: {  	s5 =	ssub.s32 $0x0, s20;
	[sflag:s22] =	ssyncset.done $0x0  }
0xa1: {  	[sflag:s22] =	ssyncadd.s32 s5;
	_ =	sdelay $0x1  }
0xa2: {  	s23 =	simm.s32 $0x1B8B  }
0xa3: {  	_ =	swait.ge [sflag:s23], $0x1  }
0xa4: {  	[sflag:s23] =	ssyncset.done $0x0  }
0xa5: {  	s25 =	simm.s32 $0x1B8E;
	s24 =	sld [smem:$0x3FFE];
	[sflag:s23] =	ssyncadd.s32 $0xFFFFFFFF  }
0xa6: {  	s26 =	simm.s32 $execute0_lowered;
	[smem:$0x3FD2] =	sst s25  }
0xa7: {  	s6 =	sshll.u32 s26, $0x1;
	_ =	strace $0x80000046;
	[dreg:$0x1] =	wrdreg $0xFFFFFFFF  }
0xa8: {  	s28 =	simm.s32 $_size_execute0_lowered;
	s4 =	sadd.s32 s4, s6;
	[dreg:$0x0] =	wrdreg $0x0  }
0xa9: {  	s6 =	sshll.u32 s28, $0x1;
	[dreg:$0x2] =	wrdreg s4  }
0xaa: {  	[dreg:$0x3] =	wrdreg s6  }
0xab: {  	[dreg:$0x4] =	wrdreg $0xC0  }
0xac: {  	_ =	task [dreg:s8], $0x5FFFF  }
0xad: {  	[dreg:$0x1] =	wrdreg $0xFFFFFFFF  }
0xae: {  	[dreg:$0x0] =	wrdreg $0x60  }
0xaf: {  	[dreg:$0x2] =	wrdreg s2  }
0xb0: {  	[dreg:$0x3] =	wrdreg s18  }
0xb1: {  	[dreg:$0x4] =	wrdreg s24  }
0xb2: {  	[dreg:$0x5] =	wrdreg $0x0  }
0xb3: {  	[dreg:$0x6] =	wrdreg $0x140000  }
0xb4: {  	[dreg:$0x7] =	wrdreg $0x9  }
0xb5: {  	_ =	task.clear_ibuf [dreg:s8], $0x8FFFF;
	_ =	strace $0x90000046  }
0xb6: {  	s29 =	simm.s32 $0x9;
	_ =	strace $0x80000048  }
0xb7: {  	_ =	swait.ge [sflag:s29], $0x1  }
0xb8: {  	[sflag:s29] =	ssyncadd.s32 $0xFFFFFFFF  }
0xb9: {  	_ =	strace $0x90000048  }
0xba: {  	_ =	sfence  }
0xbb: {  	s30 =	sld [smem:$0x0];
	_ =	sdelay $0x2  }
0xbc: {  	s31 =	sshll.u32 s1, $0xD;
	s1 =	sshrl.u32 s1, $0x2  }
0xbd: {  	s3 =	sand.u32 $0x4000, s31;
	s1 =	sadd.s32 s1, s30  }
0xbe: {  	s0 =	sor.u32 s3, s0;
	s1 =	sshll.u32 s1, $0x11  }
0xbf: {  	s0 =	sor.u32 s1, s0  }
0xc0: {  	s0 =	sadd.s32 $0x8F2B, s0  }
0xc1: {  	[sflag:s0] =	ssyncadd.remote.s32 $0x1  }
0xc2: {  	_ =	sfence.sel $0xFFFF  }
0xc3: {  	[dreg:$0x0] =	wrdreg $0xFFFFFFFF;
	(pc) =	sbr.abs _section_cstart, $3  }
0xc4: {  	[dreg:$0x1] =	wrdreg $0xFFFFFFFF  }
0xc5: {  	_ =	task.clear_ibuf [dreg:s8], $0x2FFFF;
	_ =	strace $0x9FFFFFFF  }
0xc6: {  	(tm) =	ssettm $0x7FFFFFFF  }
0xc7: {  	_ =	shalt  }
tec
execute0_lowered:
.L_overlay_start_1:
0x0: {  	(tag) =	ssettag $0x1  }
0x1: {  	s1 =	rddreg [dreg:$0x0]  }
0x2: {  	s0 =	rddreg [dreg:$0x1]  }
0x3: {  	s4 =	rddreg [dreg:$0x2]  }
0x4: {  	s2 =	rddreg [dreg:$0x3];
	s13 =	stileid.u32  }
0x5: {  	s3 =	rddreg [dreg:$0x4];
	s8 =	smul.u32 $0x14000, s13  }
0x6: {  	s5 =	srdreg.scid;
	s10 =	smul.u32 $0x500, s13  }
0x7: {  	s30 =	simm.s32 $0x15A80;
	s31 =	simm.s32 $0xA;
	s18 =	smul.u32 $0x50000, s13  }
0x8: {  	s28 =	simm.s32 $0x19A80;
	s29 =	simm.s32 $0x1;
	s20 =	smul.u32 $0x14, s13  }
0x9: {  	s6 =	sand.u32 $0x1, s5;
	s5 =	simm.s32 $0x0;
	s23 =	smul.u32 $0xA00, s13  }
0xa: {  	s9 =	sadd.s32 $0xA00, s4;
	s11 =	sshll.u32 s13, $0x1;
	s7 =	smul.u32 $0x140000, s6  }
0xb: {  	[smem:$0x7FF] =	sst s5;
	s24 =	sshll.u32 s6, $0x7;
	s25 =	sor.u32 s6, s11  }
0xc: {  	s26 =	ssub.s32 $0x2, s6;
	s6 =	smul.u32 $0xA, s6;
	_ =	strace $0x80000047  }
0xd: {  	s12 =	smul.u32 $0x500, s25;
	s14 =	sshrl.u32 s26, $0x1;
	s19 =	sshrl.u32 s18, $0x2  }
0xe: {  	s7 =	sadd.s32 s8, s7;
	s8 =	sor.u32 s24, s10;
	s10 =	smul.u32 $0x2800, s25  }
0xf: {  	s6 =	sadd.s32 s6, s20;
	s7 =	sshrl.u32 s7, $0x3;
	s8 =	sshrl.u32 s8, $0x3  }
0x10: {  	s15 =	sadd.s32 s0, s12;
	s16 =	sadd.s32 s9, s12;
	s17 =	sor.u32 $0x80, s12  }
0x11: {  	s6 =	sshll.u32 s6, $0x7;
	s7 =	sadd.s32 s7, s4;
	[dreg:$0x6] =	wrdreg s15  }
0x12: {  	s4 =	sadd.s32 s8, s4;
	s8 =	ssub.s32 s26, s14;
	[dreg:$0x7] =	wrdreg s16  }
0x13: {  	s14 =	sadd.s32 s0, s17;
	s11 =	sadd.s32 s9, s17;
	s10 =	sshrl.u32 s10, $0x3  }
0x14: {  	s6 =	sadd.s32 $0x100, s6;
	s15 =	simm.s32 $0x14E80;
	[dreg:$0x8] =	wrdreg s14  }
0x15: {  	[dreg:$0x9] =	wrdreg s11;
	s10 =	sadd.s32 $0x100, s10;
	s11 =	sadd.s32 s19, s2  }
0x16: {  	s7 =	sadd.s32 $0xB400, s7;
	s19 =	sadd.s32 $0xAA00, s4;
	s20 =	smax.u32 s8, $0x1  }
0x17: {  	s13 =	sadd.s32 s6, s0;
	s12 =	sadd.s32 s6, s9;
	s4 =	simm.s32 $0x3  }
0x18: {  	s6 =	simm.s32 $0x4;
	s21 =	sadd.s32 s0, s10;
	[dreg:$0x10] =	wrdreg s7  }
0x19: {  	s8 =	simm.s32 $0x9;
	s10 =	sadd.s32 s9, s10;
	[dreg:$0xa] =	wrdreg s21  }
0x1a: {  	s22 =	sadd.s32 $0x4000, s11;
	s24 =	sadd.s32 $0x8000, s11;
	[dreg:$0xb] =	wrdreg s10  }
.Ltmp0:
0x1b: {  	s25 =	sadd.s32 $0xC000, s11;
	[dreg:$0xc] =	wrdreg s22;
	(pc) =	sbr.rel .LBB2_1-.Ltmp0, $4  }
0x1c: {  	s26 =	sadd.s32 $0x10000, s11;
	s0 =	simm.s32 $0x1DA80;
	[dreg:$0xd] =	wrdreg s24  }
0x1d: {  	s7 =	simm.s32 $0x5;
	s9 =	simm.s32 $0x0;
	[dreg:$0xe] =	wrdreg s25  }
0x1e: {  	[dreg:$0xf] =	wrdreg s26;
	s10 =	sshrl.u32 s23, $0x2;
	s23 =	simm.s32 $0x6  }
0x1f: {  	v0 =	vimm.f32 $0.0e+00;
	v1 =	vimm.f32 $1.000000000e+00;
	s25 =	simm.s32 $0x80;
	s26 =	simm.s32 $0x2;
	s17 =	sadd.s32 s10, s3  }
.LBB2_5:
0x20: {  	_ =	swait.ge [sflag:s4], $0x4000  }
0x21: {  	[sflag:s4] =	ssyncset.done $0x0  }
0x22: {  	[sflag:s4] =	ssyncadd.s32 $0xFFFFC000  }
0x23: {  	_ =	swait.ge [sflag:s6], $0x4000  }
0x24: {  	[sflag:s6] =	ssyncset.done $0x0  }
0x25: {  	[sflag:s6] =	ssyncadd.s32 $0xFFFFC000  }
.LBB2_7:
0x26: {  	_ =	swait.ge [sflag:s7], $0x80  }
0x27: {  	[sflag:s7] =	ssyncset.done $0x0  }
0x28: {  	[sflag:s7] =	ssyncadd.s32 $0xFFFFFF80  }
0x29: {  	_ =	swait.ge [sflag:s7], $0x80  }
0x2a: {  	[sflag:s7] =	ssyncset.done $0x0  }
0x2b: {  	[sflag:s7] =	ssyncadd.s32 $0xFFFFFF80  }
0x2c: {  	_ =	swait.ge [sflag:s7], $0x80  }
0x2d: {  	[sflag:s7] =	ssyncset.done $0x0  }
0x2e: {  	[sflag:s7] =	ssyncadd.s32 $0xFFFFFF80  }
0x2f: {  	_ =	swait.ge [sflag:s7], $0x80  }
0x30: {  	[sflag:s7] =	ssyncset.done $0x0  }
0x31: {  	[sflag:s7] =	ssyncadd.s32 $0xFFFFFF80  }
0x32: {  	_ =	swait.ge [sflag:s7], $0x80  }
0x33: {  	[sflag:s7] =	ssyncset.done $0x0  }
0x34: {  	[sflag:s7] =	ssyncadd.s32 $0xFFFFFF80  }
0x35: {  	_ =	swait.ge [sflag:s7], $0x80  }
0x36: {  	[sflag:s7] =	ssyncset.done $0x0  }
0x37: {  	[sflag:s7] =	ssyncadd.s32 $0xFFFFFF80  }
0x38: {  	_ =	swait.ge [sflag:s7], $0x80  }
0x39: {  	[sflag:s7] =	ssyncset.done $0x0  }
0x3a: {  	[sflag:s7] =	ssyncadd.s32 $0xFFFFFF80  }
0x3b: {  	_ =	swait.ge [sflag:s7], $0x80  }
0x3c: {  	s10 =	stileid.u32;
	s14 =	sshrl.u32 s11, $0x3;
	[sflag:s7] =	ssyncset.done $0x0  }
0x3d: {  	s22 =	sshrl.u32 s17, $0x3;
	s24 =	simm.s32 $0x20;
	[sflag:s7] =	ssyncadd.s32 $0xFFFFFF80  }
0x3e: {  	s16 =	simm.s32 $0x10;
	s10 =	sshll.u32 s10, $0x6;
	[bflag:$0x0] =	sbarrier.arrive $0xFFFF  }
0x3f: {  	s9 =	sadd.s32 $0x1, s9;
	s10 =	sor.u32 $0x1C09, s10;
	s15 =	rddreg [dreg:$0x10]  }
0x40: {  	[hbm:s15], [sflag:s10] =	dma.local [spmem:s14], $0x2800  }
0x41: {  	[hbm:s19@s24], [sflag:s10] =	dma.strided [spmem:s22@s16], $0x50, s29, $0x10   }
0x42: {  	p0 =	sne.s32 s9, s20;
	_ =	swait.ge [sflag:s8], $0x2800  }
.Ltmp1:
0x43: {  	[sflag:s8] =	ssyncset.done $0x0;
	(pc) =	sbr.rel @!p0 .LBB2_8-.Ltmp1, $4  }
0x44: {  	[sflag:s8] =	ssyncadd.s32 $0xFFFFD800  }
0x45: {  	_ =	swait.ge [sflag:s8], $0x50  }
0x46: {  	[sflag:s8] =	ssyncset.done $0x0  }
0x47: {  	s15 =	simm.s32 $0x14E80;
	[sflag:s8] =	ssyncadd.s32 $0xFFFFFFB0  }
.LBB2_1:
0x48: {  	s10 =	rddreg [dreg:$0x6];
	s14 =	simm.s32 $0x14280  }
0x49: {  	[tilespmem:s14], [sflag:$0x6] =	stream.linear.gather [hbm4b:s10+s5], $0x400, $0x38;
	[tilespmem:$0x1DD80] =	vst v63  }
0x4a: {  	s21 =	rddreg [dreg:$0x7]  }
0x4b: {  	[tilespmem:s15], [sflag:$0x6] =	stream.linear.gather [hbm4b:s21+s5], $0x400, $0x38;
	[tilespmem:$0x1DD80] =	vst v63  }
0x4c: {  	s22 =	rddreg [dreg:$0x8];
	s24 =	simm.s32 $0x14680  }
0x4d: {  	[tilespmem:s24], [sflag:$0x7] =	stream.linear.gather [hbm4b:s22+s5], $0x400, $0x38;
	[tilespmem:$0x1DD80] =	vst v63  }
0x4e: {  	s16 =	simm.s32 $0x15280;
	s14 =	rddreg [dreg:$0x9]  }
0x4f: {  	[tilespmem:s16], [sflag:$0x7] =	stream.linear.gather [hbm4b:s14+s5], $0x400, $0x38;
	[tilespmem:$0x1DD80] =	vst v63  }
0x50: {  	s18 =	rddreg [dreg:$0xa];
	s10 =	simm.s32 $0x0;
	s21 =	simm.s32 $0x14A80  }
0x51: {  	[tilespmem:s21], [sflag:$0x8] =	stream.linear.gather [hbm4b:s18+s5], $0x400, $0x38;
	[tilespmem:$0x1DD80] =	vst v63  }
0x52: {  	s22 =	rddreg [dreg:$0xb];
	s24 =	simm.s32 $0x15680;
	s14 =	simm.s32 $0x200  }
0x53: {  	[tilespmem:s24], [sflag:$0x8] =	stream.linear.gather [hbm4b:s22+s5], $0x400, $0x38;
	[tilespmem:$0x1DD80] =	vst v63  }
.LBB2_2:
0x54: {  	p0 =	sne.s32 s14, $0xFE00;
	[tilespmem:s10+$0x15AF0] =	vst v0  }
0x55: {  	[tilespmem:s10+$0x15A80] =	vst v0  }
0x56: {  	[tilespmem:s10+$0x15A90] =	vst v0  }
.Ltmp2:
0x57: {  	[tilespmem:s10+$0x15AA0] =	vst v0;
	(pc) =	sbr.rel @p0 .LBB2_2-.Ltmp2, $4  }
0x58: {  	[tilespmem:s10+$0x15AB0] =	vst v0  }
0x59: {  	[tilespmem:s10+$0x15AC0] =	vst v0  }
0x5a: {  	[tilespmem:s10+$0x15AD0] =	vst v0  }
0x5b: {  	[tilespmem:s10+$0x15AE0] =	vst v0;
	s10 =	sshra.s32 s14, $0x2;
	s14 =	sadd.s32 $0x200, s14  }
0x5c: {  	[tilespmem:s10+$0x15AF0] =	vst v0  }
0x5d: {  	[tilespmem:s10+$0x15A80] =	vst v0  }
0x5e: {  	[tilespmem:s10+$0x15A90] =	vst v0  }
0x5f: {  	[tilespmem:s10+$0x15AA0] =	vst v0  }
0x60: {  	[tilespmem:s10+$0x15AB0] =	vst v0  }
0x61: {  	[tilespmem:s10+$0x15AC0] =	vst v0  }
0x62: {  	[tilespmem:s10+$0x15AD0] =	vst v0  }
0x63: {  	[tilespmem:s10+$0x15AE0] =	vst v0  }
0x64: {  	[tilespmem:$0x1DA80] =	vst v1  }
0x65: {  	[tilespmem:$0x1DA90] =	vst v1  }
0x66: {  	[tilespmem:$0x1DAA0] =	vst v1  }
0x67: {  	[tilespmem:$0x1DAB0] =	vst v1  }
0x68: {  	[tilespmem:$0x1DAC0] =	vst v1  }
0x69: {  	[tilespmem:$0x1DAD0] =	vst v1  }
0x6a: {  	[tilespmem:$0x1DAE0] =	vst v1  }
0x6b: {  	[tilespmem:$0x1DAF0] =	vst v1  }
0x6c: {  	[tilespmem:$0x1DB00] =	vst v0  }
0x6d: {  	[tilespmem:$0x1DB10] =	vst v0  }
0x6e: {  	[tilespmem:$0x1DB20] =	vst v0  }
0x6f: {  	[tilespmem:$0x1DB30] =	vst v0  }
0x70: {  	[tilespmem:$0x1DB40] =	vst v0  }
0x71: {  	[tilespmem:$0x1DB50] =	vst v0  }
0x72: {  	[tilespmem:$0x1DB60] =	vst v0  }
0x73: {  	[tilespmem:$0x1DB70] =	vst v0  }
0x74: {  	[tilespmem:$0x1DB80] =	vst v0  }
0x75: {  	[tilespmem:$0x1DB90] =	vst v0  }
0x76: {  	[tilespmem:$0x1DBA0] =	vst v0  }
0x77: {  	[tilespmem:$0x1DBB0] =	vst v0  }
0x78: {  	[tilespmem:$0x1DBC0] =	vst v0  }
0x79: {  	[tilespmem:$0x1DBD0] =	vst v0  }
0x7a: {  	[tilespmem:$0x1DBE0] =	vst v0  }
0x7b: {  	[tilespmem:$0x1DBF0] =	vst v0  }
0x7c: {  	[tilespmem:$0x1DC00] =	vst v0  }
0x7d: {  	[tilespmem:$0x1DC10] =	vst v0  }
0x7e: {  	[tilespmem:$0x1DC20] =	vst v0  }
0x7f: {  	[tilespmem:$0x1DC30] =	vst v0  }
0x80: {  	[tilespmem:$0x1DC40] =	vst v0  }
0x81: {  	[tilespmem:$0x1DC50] =	vst v0  }
0x82: {  	[tilespmem:$0x1DC60] =	vst v0  }
0x83: {  	[tilespmem:$0x1DC70] =	vst v0  }
0x84: {  	[tilespmem:$0x1DC80] =	vst v0  }
0x85: {  	[tilespmem:$0x1DC90] =	vst v0  }
0x86: {  	[tilespmem:$0x1DCA0] =	vst v0  }
0x87: {  	[tilespmem:$0x1DCB0] =	vst v0  }
0x88: {  	[tilespmem:$0x1DCC0] =	vst v0  }
0x89: {  	[tilespmem:$0x1DCD0] =	vst v0  }
0x8a: {  	[tilespmem:$0x1DCE0] =	vst v0  }
0x8b: {  	[tilespmem:$0x1DCF0] =	vst v0  }
0x8c: {  	[tilespmem:$0x1DD00] =	vst v0  }
0x8d: {  	[tilespmem:$0x1DD10] =	vst v0  }
0x8e: {  	[tilespmem:$0x1DD20] =	vst v0  }
0x8f: {  	[tilespmem:$0x1DD30] =	vst v0  }
0x90: {  	[tilespmem:$0x1DD40] =	vst v0  }
0x91: {  	[tilespmem:$0x1DD50] =	vst v0  }
0x92: {  	[tilespmem:$0x1DD60] =	vst v0  }
0x93: {  	[tilespmem:$0x1DD70] =	vst v0  }
0x94: {  	[spmem:s11] =	stream.linear.scatter [tilespmem:s30], [sflag:$0xA], $0x4000, $0x38;
	[tilespmem:$0x1DD80] =	vst v63  }
0x95: {  	_ =	swait.ge [sflag:s31], $0x4000  }
0x96: {  	[sflag:s31] =	ssyncset.done $0x0  }
0x97: {  	s14 =	rddreg [dreg:$0xc];
	[sflag:s31] =	ssyncadd.s32 $0xFFFFC000  }
0x98: {  	[spmem:s14] =	stream.linear.scatter [tilespmem:s30], [sflag:$0xA], $0x4000, $0x38;
	[tilespmem:$0x1DD80] =	vst v63  }
0x99: {  	_ =	swait.ge [sflag:s31], $0x4000  }
0x9a: {  	[sflag:s31] =	ssyncset.done $0x0  }
0x9b: {  	s16 =	rddreg [dreg:$0xd];
	[sflag:s31] =	ssyncadd.s32 $0xFFFFC000  }
0x9c: {  	[spmem:s16] =	stream.linear.scatter [tilespmem:s30], [sflag:$0xA], $0x4000, $0x38;
	[tilespmem:$0x1DD80] =	vst v63  }
0x9d: {  	_ =	swait.ge [sflag:s31], $0x4000  }
0x9e: {  	[sflag:s31] =	ssyncset.done $0x0  }
0x9f: {  	s18 =	rddreg [dreg:$0xe];
	[sflag:s31] =	ssyncadd.s32 $0xFFFFC000  }
0xa0: {  	[spmem:s18] =	stream.linear.scatter [tilespmem:s30], [sflag:$0xA], $0x4000, $0x38;
	[tilespmem:$0x1DD80] =	vst v63  }
0xa1: {  	_ =	swait.ge [sflag:s31], $0x4000  }
0xa2: {  	[sflag:s31] =	ssyncset.done $0x0  }
0xa3: {  	s21 =	rddreg [dreg:$0xf];
	[sflag:s31] =	ssyncadd.s32 $0xFFFFC000  }
0xa4: {  	[spmem:s21] =	stream.linear.scatter [tilespmem:s30], [sflag:$0xA], $0x4000, $0x38;
	[tilespmem:$0x1DD80] =	vst v63  }
0xa5: {  	_ =	swait.ge [sflag:s31], $0x4000  }
0xa6: {  	[sflag:s31] =	ssyncset.done $0x0  }
0xa7: {  	s22 =	simm.s32 $0x1DB00;
	[sflag:s31] =	ssyncadd.s32 $0xFFFFC000  }
0xa8: {  	[spmem:s17] =	stream.linear.scatter [tilespmem:s22], [sflag:$0xA], $0x280, $0x38;
	[tilespmem:$0x1DD80] =	vst v63  }
0xa9: {  	_ =	swait.ge [sflag:s31], $0x280  }
0xaa: {  	[sflag:s31] =	ssyncset.done $0x0  }
0xab: {  	[sflag:s31] =	ssyncadd.s32 $0xFFFFFD80  }
0xac: {  	[bflag:$0x0] =	sbarrier.arrive $0xFFFF  }
0xad: {  	_ =	swait.ge [sflag:s23], $0x400  }
0xae: {  	[sflag:s23] =	ssyncset.done $0x0  }
0xaf: {  	[sflag:s23] =	ssyncadd.s32 $0xFFFFFC00  }
0xb0: {  	_ =	swait.ge [sflag:s23], $0x400  }
0xb1: {  	[sflag:s23] =	ssyncset.done $0x0  }
0xb2: {  	s24 =	simm.s32 $0x14F00;
	[sflag:s23] =	ssyncadd.s32 $0xFFFFFC00  }
0xb3: {  	[tilespmem:s30], [sflag:$0x1] =	stream.indirect.gather [hbm4b:s1+s25], $0x80, s15, s25, $0xb8;
	[tilespmem:$0x1DD80] =	vst v63  }
0xb4: {  	s10 =	simm.s32 $0x0;
	s21 =	smov.u32 s13;
	s22 =	smov.u32 s12  }
0xb5: {  	[tilespmem:s28], [sflag:$0x2] =	stream.indirect.gather [hbm4b:s1+s25], $0x80, s24, s25, $0xb8;
	[tilespmem:$0x1DD80] =	vst v63  }
.LBB2_4:
0xb6: {  	s14 =	smul.u32 $0xAB, s10;
	_ =	sdelay $0x1  }
0xb7: {  	s15 =	sshrl.u32 s14, $0x9  }
0xb8: {  	s15 =	sand.u32 $0x7F, s15  }
0xb9: {  	s15 =	smul.u32 $0x3, s15;
	_ =	sdelay $0x1  }
0xba: {  	s15 =	ssub.s32 s10, s15  }
0xbb: {  	_ =	swait.ge [sflag:s29], $0x4000;
	s15 =	sand.u32 $0xFF, s15  }
0xbc: {  	[sflag:s29] =	ssyncset.done $0x0;
	s15 =	sshll.u32 s15, $0xA  }
0xbd: {  	[sflag:s29] =	ssyncadd.s32 $0xFFFFC000;
	s16 =	sor.u32 $0x14280, s15  }
0xbe: {  	[spmem:s2] =	stream.indirect.scatter.add.f32 [tilespmem:s30], [sflag:$0x3], $0x80, s16, s25, $0xb8;
	[tilespmem:$0x1DD80] =	vst v63  }
0xbf: {  	_ = 	snop  }
0xc0: {  	[spmem:s3] =	stream.indirect.scatter.add.f32 [tilespmem:s0], [sflag:$0x5], $0x1, s16, s25, $0xb8;
	[tilespmem:$0x1DD80] =	vst v63  }
0xc1: {  	_ =	swait.ge [sflag:s26], $0x4000  }
0xc2: {  	[sflag:s26] =	ssyncset.done $0x0  }
0xc3: {  	s18 =	sor.u32 $0x14300, s15;
	[sflag:s26] =	ssyncadd.s32 $0xFFFFC000  }
0xc4: {  	[spmem:s2] =	stream.indirect.scatter.add.f32 [tilespmem:s28], [sflag:$0x4], $0x80, s18, s25, $0xb8;
	[tilespmem:$0x1DD80] =	vst v63  }
0xc5: {  	_ = 	snop  }
0xc6: {  	[spmem:s3] =	stream.indirect.scatter.add.f32 [tilespmem:s0], [sflag:$0x5], $0x1, s18, s25, $0xb8;
	[tilespmem:$0x1DD80] =	vst v63  }
0xc7: {  	_ =	swait.ge [sflag:s4], $0x4000  }
0xc8: {  	[sflag:s4] =	ssyncset.done $0x0  }
0xc9: {  	s24 =	sadd.s32 $0x14F80, s15;
	[sflag:s4] =	ssyncadd.s32 $0xFFFFC000  }
0xca: {  	[tilespmem:s30], [sflag:$0x1] =	stream.indirect.gather [hbm4b:s1+s25], $0x80, s24, s25, $0xb8;
	[tilespmem:$0x1DD80] =	vst v63  }
0xcb: {  	_ =	swait.ge [sflag:s6], $0x4000  }
0xcc: {  	[sflag:s6] =	ssyncset.done $0x0  }
0xcd: {  	s18 =	sor.u32 $0x15000, s15;
	[sflag:s6] =	ssyncadd.s32 $0xFFFFC000  }
0xce: {  	[tilespmem:s28], [sflag:$0x2] =	stream.indirect.gather [hbm4b:s1+s25], $0x80, s18, s25, $0xb8;
	[tilespmem:$0x1DD80] =	vst v63  }
0xcf: {  	_ =	swait.ge [sflag:s29], $0x4000  }
0xd0: {  	[sflag:s29] =	ssyncset.done $0x0  }
0xd1: {  	s24 =	sor.u32 $0x14380, s15;
	[sflag:s29] =	ssyncadd.s32 $0xFFFFC000  }
0xd2: {  	[spmem:s2] =	stream.indirect.scatter.add.f32 [tilespmem:s30], [sflag:$0x3], $0x80, s24, s25, $0xb8;
	[tilespmem:$0x1DD80] =	vst v63  }
0xd3: {  	_ = 	snop  }
0xd4: {  	[spmem:s3] =	stream.indirect.scatter.add.f32 [tilespmem:s0], [sflag:$0x5], $0x1, s24, s25, $0xb8;
	[tilespmem:$0x1DD80] =	vst v63  }
0xd5: {  	_ =	swait.ge [sflag:s26], $0x4000  }
0xd6: {  	[sflag:s26] =	ssyncset.done $0x0  }
0xd7: {  	p0 =	seq.s32 s10, $0x0;
	s18 =	sadd.s32 $0x14400, s15;
	[sflag:s26] =	ssyncadd.s32 $0xFFFFC000  }
0xd8: {  	[spmem:s2] =	stream.indirect.scatter.add.f32 [tilespmem:s28], [sflag:$0x4], $0x80, s18, s25, $0xb8;
	[tilespmem:$0x1DD80] =	vst v63  }
0xd9: {  	s16 =	simm.s32 @!p0 $0x5  }
0xda: {  	[spmem:s3] =	stream.indirect.scatter.add.f32 [tilespmem:s0], [sflag:$0x5], $0x1, s18, s25, $0xb8;
	[tilespmem:$0x1DD80] =	vst v63  }
0xdb: {  	_ =	swait.ge @!p0 [sflag:s16], $0x80  }
0xdc: {  	[sflag:s16] =	ssyncset.done @!p0 $0x0  }
0xdd: {  	[sflag:s16] =	ssyncadd.s32 @!p0 $0xFFFFFF80  }
0xde: {  	_ =	swait.ge @!p0 [sflag:s16], $0x80  }
0xdf: {  	[sflag:s16] =	ssyncset.done @!p0 $0x0  }
0xe0: {  	[sflag:s16] =	ssyncadd.s32 @!p0 $0xFFFFFF80  }
0xe1: {  	_ =	swait.ge @!p0 [sflag:s16], $0x80  }
0xe2: {  	[sflag:s16] =	ssyncset.done @!p0 $0x0  }
0xe3: {  	[sflag:s16] =	ssyncadd.s32 @!p0 $0xFFFFFF80  }
0xe4: {  	_ =	swait.ge @!p0 [sflag:s16], $0x80  }
0xe5: {  	[sflag:s16] =	ssyncset.done @!p0 $0x0  }
0xe6: {  	[sflag:s16] =	ssyncadd.s32 @!p0 $0xFFFFFF80  }
0xe7: {  	_ =	swait.ge @!p0 [sflag:s16], $0x80  }
0xe8: {  	[sflag:s16] =	ssyncset.done @!p0 $0x0  }
0xe9: {  	[sflag:s16] =	ssyncadd.s32 @!p0 $0xFFFFFF80  }
0xea: {  	_ =	swait.ge @!p0 [sflag:s16], $0x80  }
0xeb: {  	[sflag:s16] =	ssyncset.done @!p0 $0x0  }
0xec: {  	[sflag:s16] =	ssyncadd.s32 @!p0 $0xFFFFFF80  }
0xed: {  	_ =	swait.ge @!p0 [sflag:s16], $0x80  }
0xee: {  	[sflag:s16] =	ssyncset.done @!p0 $0x0  }
0xef: {  	[sflag:s16] =	ssyncadd.s32 @!p0 $0xFFFFFF80  }
0xf0: {  	p1 =	sgt.u32 @!p0 s10, $0x7;
	_ =	swait.ge @!p0 [sflag:s16], $0x80  }
0xf1: {  	p1 =	por p0, !p1;
	[sflag:s16] =	ssyncset.done @!p0 $0x0  }
0xf2: {  	[sflag:s16] =	ssyncadd.s32 @!p0 $0xFFFFFF80;
	s16 =	sadd.s32 @p1 $0x2, s10  }
0xf3: {  	s18 =	smul.u32 @p1 $0xAB, s16;
	_ =	sdelay $0x1  }
0xf4: {  	s18 =	sshrl.u32 @p1 s18, $0x9  }
0xf5: {  	s18 =	sand.u32 @p1 $0x7F, s18  }
0xf6: {  	s18 =	smul.u32 @p1 $0x3, s18;
	_ =	sdelay $0x1  }
0xf7: {  	s16 =	ssub.s32 @p1 s16, s18  }
0xf8: {  	s16 =	sand.u32 @p1 $0xFF, s16  }
0xf9: {  	s18 =	sshll.u32 @p1 s16, $0xA  }
0xfa: {  	s16 =	sadd.s32 @p1 $0x6, s16;
	s24 =	sor.u32 @p1 $0x14280, s18  }
0xfb: {  	[tilespmem:s24], [sflag:s16] =	stream.linear.gather @p1 [hbm4b:s21+s5], $0x400, $0x38;
	[tilespmem:$0x1DD80] =	vst v63  }
0xfc: {  	s18 =	sadd.s32 @p1 $0x14E80, s18  }
0xfd: {  	[tilespmem:s18], [sflag:s16] =	stream.linear.gather @p1 [hbm4b:s22+s5], $0x400, $0x38;
	[tilespmem:$0x1DD80] =	vst v63  }
0xfe: {  	_ =	swait.ge [sflag:s4], $0x4000  }
0xff: {  	[sflag:s4] =	ssyncset.done $0x0  }
0x100: {  	s24 =	sadd.s32 $0x15080, s15;
	[sflag:s4] =	ssyncadd.s32 $0xFFFFC000  }
0x101: {  	[tilespmem:s30], [sflag:$0x1] =	stream.indirect.gather [hbm4b:s1+s25], $0x80, s24, s25, $0xb8;
	[tilespmem:$0x1DD80] =	vst v63  }
0x102: {  	_ =	swait.ge [sflag:s6], $0x4000  }
0x103: {  	[sflag:s6] =	ssyncset.done $0x0  }
0x104: {  	s18 =	sadd.s32 $0x15100, s15;
	[sflag:s6] =	ssyncadd.s32 $0xFFFFC000  }
0x105: {  	[tilespmem:s28], [sflag:$0x2] =	stream.indirect.gather [hbm4b:s1+s25], $0x80, s18, s25, $0xb8;
	[tilespmem:$0x1DD80] =	vst v63  }
0x106: {  	_ =	swait.ge [sflag:s29], $0x4000  }
0x107: {  	[sflag:s29] =	ssyncset.done $0x0  }
0x108: {  	s24 =	sadd.s32 $0x14480, s15;
	[sflag:s29] =	ssyncadd.s32 $0xFFFFC000  }
0x109: {  	[spmem:s2] =	stream.indirect.scatter.add.f32 [tilespmem:s30], [sflag:$0x3], $0x80, s24, s25, $0xb8;
	[tilespmem:$0x1DD80] =	vst v63  }
0x10a: {  	_ = 	snop  }
0x10b: {  	[spmem:s3] =	stream.indirect.scatter.add.f32 [tilespmem:s0], [sflag:$0x5], $0x1, s24, s25, $0xb8;
	[tilespmem:$0x1DD80] =	vst v63  }
0x10c: {  	_ =	swait.ge [sflag:s26], $0x4000  }
0x10d: {  	[sflag:s26] =	ssyncset.done $0x0  }
0x10e: {  	s18 =	sadd.s32 $0x14500, s15;
	[sflag:s26] =	ssyncadd.s32 $0xFFFFC000  }
0x10f: {  	[spmem:s2] =	stream.indirect.scatter.add.f32 [tilespmem:s28], [sflag:$0x4], $0x80, s18, s25, $0xb8;
	[tilespmem:$0x1DD80] =	vst v63  }
0x110: {  	_ = 	snop  }
0x111: {  	[spmem:s3] =	stream.indirect.scatter.add.f32 [tilespmem:s0], [sflag:$0x5], $0x1, s18, s25, $0xb8;
	[tilespmem:$0x1DD80] =	vst v63  }
0x112: {  	_ =	swait.ge [sflag:s4], $0x4000  }
0x113: {  	[sflag:s4] =	ssyncset.done $0x0  }
0x114: {  	s24 =	sadd.s32 $0x15180, s15;
	[sflag:s4] =	ssyncadd.s32 $0xFFFFC000  }
0x115: {  	[tilespmem:s30], [sflag:$0x1] =	stream.indirect.gather [hbm4b:s1+s25], $0x80, s24, s25, $0xb8;
	[tilespmem:$0x1DD80] =	vst v63  }
0x116: {  	_ =	swait.ge [sflag:s6], $0x4000  }
0x117: {  	[sflag:s6] =	ssyncset.done $0x0  }
0x118: {  	s18 =	sadd.s32 $0x15200, s15;
	[sflag:s6] =	ssyncadd.s32 $0xFFFFC000  }
0x119: {  	[tilespmem:s28], [sflag:$0x2] =	stream.indirect.gather [hbm4b:s1+s25], $0x80, s18, s25, $0xb8;
	[tilespmem:$0x1DD80] =	vst v63  }
0x11a: {  	_ =	swait.ge [sflag:s29], $0x4000  }
0x11b: {  	[sflag:s29] =	ssyncset.done $0x0  }
0x11c: {  	s24 =	sadd.s32 $0x14580, s15;
	[sflag:s29] =	ssyncadd.s32 $0xFFFFC000  }
0x11d: {  	[spmem:s2] =	stream.indirect.scatter.add.f32 [tilespmem:s30], [sflag:$0x3], $0x80, s24, s25, $0xb8;
	[tilespmem:$0x1DD80] =	vst v63  }
0x11e: {  	_ = 	snop  }
0x11f: {  	[spmem:s3] =	stream.indirect.scatter.add.f32 [tilespmem:s0], [sflag:$0x5], $0x1, s24, s25, $0xb8;
	[tilespmem:$0x1DD80] =	vst v63  }
0x120: {  	p0 =	sne.s32 s10, $0x9;
	_ =	swait.ge [sflag:s26], $0x4000  }
.Ltmp3:
0x121: {  	[sflag:s26] =	ssyncset.done $0x0;
	(pc) =	sbr.rel @!p0 .LBB2_5-.Ltmp3, $4  }
0x122: {  	s15 =	sadd.s32 $0x14600, s15;
	[sflag:s26] =	ssyncadd.s32 $0xFFFFC000  }
0x123: {  	[spmem:s2] =	stream.indirect.scatter.add.f32 [tilespmem:s28], [sflag:$0x4], $0x80, s15, s25, $0xb8;
	[tilespmem:$0x1DD80] =	vst v63  }
0x124: {  	_ = 	snop  }
0x125: {  	[spmem:s3] =	stream.indirect.scatter.add.f32 [tilespmem:s0], [sflag:$0x5], $0x1, s15, s25, $0xb8;
	[tilespmem:$0x1DD80] =	vst v63  }
0x126: {  	s14 =	sadd.s32 $0xAB, s14  }
0x127: {  	s14 =	sshrl.u32 s14, $0x9  }
0x128: {  	s14 =	sand.u32 $0x7F, s14  }
0x129: {  	s14 =	smul.u32 $0x3, s14  }
0x12a: {  	s10 =	sadd.s32 $0x1, s10  }
0x12b: {  	s14 =	ssub.s32 s10, s14  }
0x12c: {  	s14 =	sand.u32 $0xFF, s14  }
0x12d: {  	s15 =	sadd.s32 $0x6, s14  }
0x12e: {  	_ =	swait.ge [sflag:s15], $0x400  }
0x12f: {  	[sflag:s15] =	ssyncset.done $0x0  }
0x130: {  	[sflag:s15] =	ssyncadd.s32 $0xFFFFFC00  }
0x131: {  	_ =	swait.ge [sflag:s15], $0x400  }
0x132: {  	[sflag:s15] =	ssyncset.done $0x0  }
0x133: {  	[sflag:s15] =	ssyncadd.s32 $0xFFFFFC00  }
0x134: {  	_ =	swait.ge [sflag:s4], $0x4000  }
0x135: {  	s14 =	sshll.u32 s14, $0xA;
	[sflag:s4] =	ssyncset.done $0x0  }
0x136: {  	p0 =	sne.s32 s10, $0xA;
	s24 =	sadd.s32 $0x14E80, s14;
	[sflag:s4] =	ssyncadd.s32 $0xFFFFC000  }
0x137: {  	[tilespmem:s30], [sflag:$0x1] =	stream.indirect.gather [hbm4b:s1+s25], $0x80, s24, s25, $0xb8;
	[tilespmem:$0x1DD80] =	vst v63  }
.Ltmp4:
0x138: {  	_ = 	snop;
	(pc) =	sbr.rel @p0 .LBB2_4-.Ltmp4, $4  }
.Ltmp5:
0x139: {  	_ =	swait.ge [sflag:s6], $0x4000;
	(pc) =	sbr.rel @!p0 .LBB2_7-.Ltmp5, $4  }
0x13a: {  	s21 =	sadd.s32 $0x80, s21;
	[sflag:s6] =	ssyncset.done $0x0  }
0x13b: {  	s22 =	sadd.s32 $0x80, s22;
	s14 =	sadd.s32 $0x14F00, s14;
	[sflag:s6] =	ssyncadd.s32 $0xFFFFC000  }
0x13c: {  	[tilespmem:s28], [sflag:$0x2] =	stream.indirect.gather [hbm4b:s1+s25], $0x80, s14, s25, $0xb8;
	[tilespmem:$0x1DD80] =	vst v63  }
0x13d: {  	_ = 	snop  }
.LBB2_8:
0x13e: {  	_ =	sfence.sel $0x180000  }
0x13f: {  	[bflag:$0x0] =	sbarrier.arrive $0xFFFF  }
0x140: {  	_ =	strace $0x90000047  }
0x141: {  	s0 =	stileid.u32;
	[bflag:$0x2] =	sbarrier.arrive $0xFFFF  }
0x142: {  	p0 =	sne.s32 s0, $0x0;
	s0 =	rddreg [dreg:$0x5]  }
0x143: {  	s0 =	sadd.s32 @!p0 $0x100000, s0  }
0x144: {  	[sflag:s0] =	ssyncadd.tile.s32 @!p0 $0x1;
	_ =	shalt  }
.Lfunc_end2:
_tile_overlayer_lowered:
.L_overlay_start_2:
0x145: {  	(tag) =	ssettag $0x2  }
0x146: {  	s0 =	rddreg [dreg:$0x0];
	s2 =	stileid.u32  }
0x147: {  	s1 =	rddreg [dreg:$0x1];
	p0 =	sne.s32 s2, $0x0  }
0x148: {  	s3 =	rddreg [dreg:$0x2];
	[bflag:$0x3] =	sbarrier.arrive $0xFFFF;
	s2 =	simm.s32 @!p0 $0x1C0A  }
0x149: {  	[timem:s3], [sflag:s2] =	dma.local @!p0 [hbm:s0], s1  }
0x14a: {  	s0 =	simm.s32 @!p0 $0xA  }
0x14b: {  	_ =	swait.ge @!p0 [sflag:s0], s1  }
0x14c: {  	s1 =	ssub.s32 @!p0 $0x0, s1;
	[sflag:s0] =	ssyncset.done @!p0 $0x0  }
0x14d: {  	[sflag:s0] =	ssyncadd.s32 @!p0 s1  }
0x14e: {  	[bflag:$0x3] =	sbarrier.arrive $0xFFFF  }
0x14f: {  	_ =	shalt  }

</sc_bundles>
